<compile_context>
chip_gen: v7x
topology: tpu7x:2x2x1
jax: 0.10.2.dev20260603
libtpu: 0.0.44.dev20260713+nightly
codegen_flags: <defaults>
</compile_context>

<pallas_src>
import functools

import jax
import jax.numpy as jnp
from jax import lax
from jax.experimental import pallas as pl
from jax.experimental.pallas import tpu as pltpu
from jax.experimental.pallas import tpu_sc as plsc

NUM_BINS = 256
MIN_VAL = 0.0
MAX_VAL = 1.0

_L = 16
_NW = 32


def _quantize_body(x_hbm, bins_hbm, out_hbm, x_v, bins_v, out_v, sem_b, sem_x):
    nc = 2
    wid = lax.axis_index("s") * nc + lax.axis_index("c")
    rows, cols = x_v.shape
    batch, brows, _ = x_hbm.shape
    wpb = brows // rows
    b = wid // wpb
    r0 = (wid % wpb) * rows

    cp_b = pltpu.async_copy(bins_hbm, bins_v, sem_b)
    cp_x = pltpu.async_copy(x_hbm.at[b, pl.ds(r0, rows)], x_v, sem_x)
    cp_b.wait()
    cp_x.wait()

    scale = float(NUM_BINS - 1) / (MAX_VAL - MIN_VAL)
    cpr = cols // _L

    @plsc.parallel_loop(0, rows, unroll=2)
    def step(r):
        for k in range(cpr):
            v = x_v[r, pl.ds(k * _L, _L)]
            vn = jnp.minimum(jnp.maximum((v - MIN_VAL) * scale, 0.0), float(NUM_BINS - 1))
            idx = (vn + 0.5).astype(jnp.int32)
            out_v[r, pl.ds(k * _L, _L)] = plsc.load_gather(bins_v, [idx])

    pltpu.sync_copy(out_v, out_hbm.at[b, pl.ds(r0, rows)])


def kernel(x, bin_values):
    batch, brows, cols = x.shape
    assert _NW % batch == 0
    wpb = _NW // batch
    rows_per_w = brows // wpb
    assert rows_per_w * wpb == brows and rows_per_w % 8 == 0 and cols % _L == 0

    mesh = plsc.VectorSubcoreMesh(core_axis_name="c", subcore_axis_name="s")
    run = pl.kernel(
        _quantize_body,
        mesh=mesh,
        out_type=jax.ShapeDtypeStruct((batch, brows, cols), jnp.float32),
        scratch_types=[
            pltpu.VMEM((rows_per_w, cols), jnp.float32),
            pltpu.VMEM((NUM_BINS,), jnp.float32),
            pltpu.VMEM((rows_per_w, cols), jnp.float32),
            pltpu.SemaphoreType.DMA,
            pltpu.SemaphoreType.DMA,
        ],
        compiler_params=pltpu.CompilerParams(
            needs_layout_passes=False,
            disable_bounds_checks=True,
            skip_device_barrier=True,
        ),
    )
    return run(x, bin_values)

# --- scband reference (transcript-rebuilt; emitter-appended) ---
"""Pipeline reference for scband-learnable-bins-quantizer-7541962572331 (READ-ONLY COPY).

The authoritative reference and input builder live on the scoring server;
editing this copy changes nothing except your own understanding.
"""

import jax, jax.numpy as jnp
import numpy as np

NUM_BINS = 256
MIN_VAL = 0.0
MAX_VAL = 1.0


def setup_inputs(seed: int = 0) -> dict:
    key = jax.random.key(seed)
    k_x, _ = jax.random.split(key)
    x = jax.random.uniform(k_x, (8, 576, 96), dtype=jnp.float32, minval=0.0, maxval=1.0)
    # learned parameter: bin representative values, initialized as linspace(min_val, max_val, num_bins)
    bin_values = jnp.linspace(MIN_VAL, MAX_VAL, NUM_BINS, dtype=jnp.float32)
    return {"x": x, "bin_values": bin_values}


def reference(x, bin_values):
    # normalize to [0, 1]
    x_norm = (x - MIN_VAL) / (MAX_VAL - MIN_VAL)
    x_norm = jnp.clip(x_norm, 0.0, 1.0)
    # fixed reference bins in normalized space
    reference_bins = jnp.linspace(0.0, 1.0, NUM_BINS, dtype=x.dtype)
    # distances to every reference bin: shape (..., num_bins)
    distances = jnp.abs(x_norm[..., None] - reference_bins)
    bin_idx = jnp.argmin(distances, axis=-1)
    # gather learned representative values
    bin_value = bin_values[bin_idx]
    # straight-through estimator
    out = x + jax.lax.stop_gradient(bin_value - x)
    return out

if __name__ == "__main__":
    import jax
    _d = setup_inputs()
    print(jax.jit(kernel)(*tuple(_d.values())))

</pallas_src>

<mosaic_0001>
#map = affine_map<(d0, d1) -> (0, 0, 0)>
#map1 = affine_map<(d0, d1) -> (0)>
module attributes {stable_mosaic.version = 14 : i64} {
  func.func @_quantize_body(%arg0: i32, %arg1: i32, %arg2: memref<8x576x96xf32, #tpu.memory_space<hbm>>, %arg3: memref<256xf32, #tpu.memory_space<hbm>>, %arg4: memref<8x576x96xf32, #tpu.memory_space<hbm>>, %arg5: memref<144x96xf32, #tpu.memory_space<vmem>>, %arg6: memref<256xf32, #tpu.memory_space<vmem>>, %arg7: memref<144x96xf32, #tpu.memory_space<vmem>>, %arg8: memref<!tpu.dma_semaphore, #tpu.memory_space<semaphore_mem>>, %arg9: memref<!tpu.dma_semaphore, #tpu.memory_space<semaphore_mem>>) attributes {dimension_semantics = [#tpu.dimension_semantics<core_parallel>, #tpu.dimension_semantics<subcore_parallel>], iteration_bounds = array<i64: 2, 16>, scalar_prefetch = 0 : i64, scratch_operands = 5 : i64, tpu.core_type = #tpu.core_type<sc_vector_subcore>, window_params = [{transform_indices = #map}, {transform_indices = #map1}, {transform_indices = #map}]} {
    %mul3A = arith.constant 2 : i32
    %mul3A_0 = arith.muli %arg1, %mul3A : i32
    %add3A = arith.addi %mul3A_0, %arg0 : i32
    %jit3A = arith.constant 4 : i32
    %div3A = arith.divsi %add3A, %jit3A : i32
    %sign3A = arith.constant 0 : i32
    %sign3A_1 = arith.cmpi sgt, %add3A, %sign3A : i32
    %sign3A_2 = arith.extui %sign3A_1 : i1 to i32
    %sign3A_3 = arith.constant 0 : i32
    %sign3A_4 = arith.cmpi slt, %add3A, %sign3A_3 : i32
    %sign3A_5 = arith.extui %sign3A_4 : i1 to i32
    %sign3A_6 = arith.subi %sign3A_2, %sign3A_5 : i32
    %sign3A_7 = arith.constant 0 : i32
    %sign3A_8 = arith.cmpi sgt, %jit3A, %sign3A_7 : i32
    %sign3A_9 = arith.extui %sign3A_8 : i1 to i32
    %sign3A_10 = arith.constant 0 : i32
    %sign3A_11 = arith.cmpi slt, %jit3A, %sign3A_10 : i32
    %sign3A_12 = arith.extui %sign3A_11 : i1 to i32
    %sign3A_13 = arith.subi %sign3A_9, %sign3A_12 : i32
    %ne3A = arith.cmpi ne, %sign3A_6, %sign3A_13 : i32
    %rem3A = arith.remsi %add3A, %jit3A : i32
    %ne3A_14 = arith.constant 0 : i32
    %ne3A_15 = arith.cmpi ne, %rem3A, %ne3A_14 : i32
    %and3A = arith.andi %ne3A, %ne3A_15 : i1
    %sub3A = arith.constant 1 : i32
    %sub3A_16 = arith.subi %div3A, %sub3A : i32
    %select_n3A = arith.select %and3A, %sub3A_16, %div3A : i32
    %jit3A_17 = arith.constant 4 : i32
    %eq3A = arith.constant 0 : i32
    %eq3A_18 = arith.cmpi eq, %jit3A_17, %eq3A : i32
    %jit3A_19 = arith.constant 1 : i32
    %select_n3A_20 = arith.select %eq3A_18, %jit3A_19, %jit3A_17 : i32
    %rem3A_21 = arith.remsi %add3A, %select_n3A_20 : i32
    %ne3A_22 = arith.constant 0 : i32
    %ne3A_23 = arith.cmpi ne, %rem3A_21, %ne3A_22 : i32
    %lt3A = arith.constant 0 : i32
    %lt3A_24 = arith.cmpi slt, %rem3A_21, %lt3A : i32
    %lt3A_25 = arith.constant 0 : i32
    %lt3A_26 = arith.cmpi slt, %select_n3A_20, %lt3A_25 : i32
    %ne3A_27 = arith.xori %lt3A_24, %lt3A_26 : i1
    %and3A_28 = arith.andi %ne3A_27, %ne3A_23 : i1
    %add3A_29 = arith.addi %rem3A_21, %select_n3A_20 : i32
    %select_n3A_30 = arith.select %and3A_28, %add3A_29, %rem3A_21 : i32
    %mul3A_31 = arith.constant 144 : i32
    %mul3A_32 = arith.muli %select_n3A_30, %mul3A_31 : i32
    tpu.enqueue_dma source(%arg3 : memref<256xf32, #tpu.memory_space<hbm>>) target(%arg6 : memref<256xf32, #tpu.memory_space<vmem>>) target_semaphore(%arg8 : memref<!tpu.dma_semaphore, #tpu.memory_space<semaphore_mem>>)
    %dma_start3A = arith.constant 0 : i32
    %dma_start3A_33 = tpu.memref_slice %arg2[%select_n3A, %mul3A_32, %dma_start3A] : memref<8x576x96xf32, #tpu.memory_space<hbm>> -> memref<1x144x96xf32, #tpu.memory_space<hbm>>
    %dma_start3A_34 = tpu.memref_squeeze %dma_start3A_33 : memref<1x144x96xf32, #tpu.memory_space<hbm>> -> memref<144x96xf32, #tpu.memory_space<hbm>>
    %dma_start3A_35 = arith.constant 0 : i32
    %dma_start3A_36 = tpu.memref_slice %arg2[%select_n3A, %mul3A_32, %dma_start3A_35] : memref<8x576x96xf32, #tpu.memory_space<hbm>> -> memref<1x144x96xf32, #tpu.memory_space<hbm>>
    %dma_start3A_37 = tpu.memref_squeeze %dma_start3A_36 : memref<1x144x96xf32, #tpu.memory_space<hbm>> -> memref<144x96xf32, #tpu.memory_space<hbm>>
    tpu.enqueue_dma source(%dma_start3A_37 : memref<144x96xf32, #tpu.memory_space<hbm>>) target(%arg5 : memref<144x96xf32, #tpu.memory_space<vmem>>) target_semaphore(%arg9 : memref<!tpu.dma_semaphore, #tpu.memory_space<semaphore_mem>>)
    tpu.wait_dma2 semaphore(%arg8 : memref<!tpu.dma_semaphore, #tpu.memory_space<semaphore_mem>>) src(%arg3 : memref<256xf32, #tpu.memory_space<hbm>>) dst(%arg6 : memref<256xf32, #tpu.memory_space<vmem>>)
    %dma_wait3A = arith.constant 0 : i32
    %dma_wait3A_38 = tpu.memref_slice %arg2[%select_n3A, %mul3A_32, %dma_wait3A] : memref<8x576x96xf32, #tpu.memory_space<hbm>> -> memref<1x144x96xf32, #tpu.memory_space<hbm>>
    %dma_wait3A_39 = tpu.memref_squeeze %dma_wait3A_38 : memref<1x144x96xf32, #tpu.memory_space<hbm>> -> memref<144x96xf32, #tpu.memory_space<hbm>>
    %dma_wait3A_40 = arith.constant 0 : i32
    %dma_wait3A_41 = tpu.memref_slice %arg2[%select_n3A, %mul3A_32, %dma_wait3A_40] : memref<8x576x96xf32, #tpu.memory_space<hbm>> -> memref<1x144x96xf32, #tpu.memory_space<hbm>>
    %dma_wait3A_42 = tpu.memref_squeeze %dma_wait3A_41 : memref<1x144x96xf32, #tpu.memory_space<hbm>> -> memref<144x96xf32, #tpu.memory_space<hbm>>
    tpu.wait_dma2 semaphore(%arg9 : memref<!tpu.dma_semaphore, #tpu.memory_space<semaphore_mem>>) src(%dma_wait3A_42 : memref<144x96xf32, #tpu.memory_space<hbm>>) dst(%arg5 : memref<144x96xf32, #tpu.memory_space<vmem>>)
    %parallel_loop3A = arith.constant 0 : i32
    %parallel_loop3A_43 = arith.constant 144 : i32
    %parallel_loop3A_44 = arith.constant 1 : i32
    scf.for %parallel_loop3A_45 = %parallel_loop3A to %parallel_loop3A_43 step %parallel_loop3A_44  : i32 {
      %parallel_loop3A_46 = arith.index_cast %parallel_loop3A_45 : i32 to index
      %parallel_loop3A_47 = arith.constant 0 : index
      %parallel_loop3A_48 = tpu.vector_load %arg5[%parallel_loop3A_46, %parallel_loop3A_47] {strides = array<i32>} : memref<144x96xf32, #tpu.memory_space<vmem>>, vector<16xf32>,
      %parallel_loop3A_49 = arith.constant 0.000000e+00 : f32
      %parallel_loop3A_50 = vector.broadcast %parallel_loop3A_49 : f32 to vector<16xf32>
      %parallel_loop3A_51 = arith.subf %parallel_loop3A_48, %parallel_loop3A_50 : vector<16xf32>
      %parallel_loop3A_52 = arith.constant 2.550000e+02 : f32
      %parallel_loop3A_53 = vector.broadcast %parallel_loop3A_52 : f32 to vector<16xf32>
      %parallel_loop3A_54 = arith.mulf %parallel_loop3A_51, %parallel_loop3A_53 : vector<16xf32>
      %parallel_loop3A_55 = arith.constant 0.000000e+00 : f32
      %parallel_loop3A_56 = vector.broadcast %parallel_loop3A_55 : f32 to vector<16xf32>
      %parallel_loop3A_57 = arith.maximumf %parallel_loop3A_54, %parallel_loop3A_56 : vector<16xf32>
      %parallel_loop3A_58 = arith.constant 2.550000e+02 : f32
      %parallel_loop3A_59 = vector.broadcast %parallel_loop3A_58 : f32 to vector<16xf32>
      %parallel_loop3A_60 = arith.minimumf %parallel_loop3A_57, %parallel_loop3A_59 : vector<16xf32>
      %parallel_loop3A_61 = arith.constant 5.000000e-01 : f32
      %parallel_loop3A_62 = vector.broadcast %parallel_loop3A_61 : f32 to vector<16xf32>
      %parallel_loop3A_63 = arith.addf %parallel_loop3A_60, %parallel_loop3A_62 : vector<16xf32>
      %parallel_loop3A_64 = arith.fptosi %parallel_loop3A_63 : vector<16xf32> to vector<16xi32>
      %parallel_loop3A_65 = tpu.vector_load_idx %arg6[%parallel_loop3A_64] : memref<256xf32, #tpu.memory_space<vmem>>[vector<16xi32>], vector<16xf32>,
      %parallel_loop3A_66 = arith.index_cast %parallel_loop3A_45 : i32 to index
      %parallel_loop3A_67 = arith.constant 0 : index
      %parallel_loop3A_68 = tpu.vector_load %arg7[%parallel_loop3A_66, %parallel_loop3A_67] {strides = array<i32>} : memref<144x96xf32, #tpu.memory_space<vmem>>, vector<16xf32>,
      tpu.vector_store %arg7[%parallel_loop3A_66, %parallel_loop3A_67], %parallel_loop3A_65 {strides = array<i32>} : memref<144x96xf32, #tpu.memory_space<vmem>>, vector<16xf32>,
      %parallel_loop3A_69 = arith.index_cast %parallel_loop3A_45 : i32 to index
      %parallel_loop3A_70 = arith.constant 16 : index
      %parallel_loop3A_71 = tpu.vector_load %arg5[%parallel_loop3A_69, %parallel_loop3A_70] {strides = array<i32>} : memref<144x96xf32, #tpu.memory_space<vmem>>, vector<16xf32>,
      %parallel_loop3A_72 = arith.constant 0.000000e+00 : f32
      %parallel_loop3A_73 = vector.broadcast %parallel_loop3A_72 : f32 to vector<16xf32>
      %parallel_loop3A_74 = arith.subf %parallel_loop3A_71, %parallel_loop3A_73 : vector<16xf32>
      %parallel_loop3A_75 = arith.constant 2.550000e+02 : f32
      %parallel_loop3A_76 = vector.broadcast %parallel_loop3A_75 : f32 to vector<16xf32>
      %parallel_loop3A_77 = arith.mulf %parallel_loop3A_74, %parallel_loop3A_76 : vector<16xf32>
      %parallel_loop3A_78 = arith.constant 0.000000e+00 : f32
      %parallel_loop3A_79 = vector.broadcast %parallel_loop3A_78 : f32 to vector<16xf32>
      %parallel_loop3A_80 = arith.maximumf %parallel_loop3A_77, %parallel_loop3A_79 : vector<16xf32>
      %parallel_loop3A_81 = arith.constant 2.550000e+02 : f32
      %parallel_loop3A_82 = vector.broadcast %parallel_loop3A_81 : f32 to vector<16xf32>
      %parallel_loop3A_83 = arith.minimumf %parallel_loop3A_80, %parallel_loop3A_82 : vector<16xf32>
      %parallel_loop3A_84 = arith.constant 5.000000e-01 : f32
      %parallel_loop3A_85 = vector.broadcast %parallel_loop3A_84 : f32 to vector<16xf32>
      %parallel_loop3A_86 = arith.addf %parallel_loop3A_83, %parallel_loop3A_85 : vector<16xf32>
      %parallel_loop3A_87 = arith.fptosi %parallel_loop3A_86 : vector<16xf32> to vector<16xi32>
      %parallel_loop3A_88 = tpu.vector_load_idx %arg6[%parallel_loop3A_87] : memref<256xf32, #tpu.memory_space<vmem>>[vector<16xi32>], vector<16xf32>,
      %parallel_loop3A_89 = arith.index_cast %parallel_loop3A_45 : i32 to index
      %parallel_loop3A_90 = arith.constant 16 : index
      %parallel_loop3A_91 = tpu.vector_load %arg7[%parallel_loop3A_89, %parallel_loop3A_90] {strides = array<i32>} : memref<144x96xf32, #tpu.memory_space<vmem>>, vector<16xf32>,
      tpu.vector_store %arg7[%parallel_loop3A_89, %parallel_loop3A_90], %parallel_loop3A_88 {strides = array<i32>} : memref<144x96xf32, #tpu.memory_space<vmem>>, vector<16xf32>,
      %parallel_loop3A_92 = arith.index_cast %parallel_loop3A_45 : i32 to index
      %parallel_loop3A_93 = arith.constant 32 : index
      %parallel_loop3A_94 = tpu.vector_load %arg5[%parallel_loop3A_92, %parallel_loop3A_93] {strides = array<i32>} : memref<144x96xf32, #tpu.memory_space<vmem>>, vector<16xf32>,
      %parallel_loop3A_95 = arith.constant 0.000000e+00 : f32
      %parallel_loop3A_96 = vector.broadcast %parallel_loop3A_95 : f32 to vector<16xf32>
      %parallel_loop3A_97 = arith.subf %parallel_loop3A_94, %parallel_loop3A_96 : vector<16xf32>
      %parallel_loop3A_98 = arith.constant 2.550000e+02 : f32
      %parallel_loop3A_99 = vector.broadcast %parallel_loop3A_98 : f32 to vector<16xf32>
      %parallel_loop3A_100 = arith.mulf %parallel_loop3A_97, %parallel_loop3A_99 : vector<16xf32>
      %parallel_loop3A_101 = arith.constant 0.000000e+00 : f32
      %parallel_loop3A_102 = vector.broadcast %parallel_loop3A_101 : f32 to vector<16xf32>
      %parallel_loop3A_103 = arith.maximumf %parallel_loop3A_100, %parallel_loop3A_102 : vector<16xf32>
      %parallel_loop3A_104 = arith.constant 2.550000e+02 : f32
      %parallel_loop3A_105 = vector.broadcast %parallel_loop3A_104 : f32 to vector<16xf32>
      %parallel_loop3A_106 = arith.minimumf %parallel_loop3A_103, %parallel_loop3A_105 : vector<16xf32>
      %parallel_loop3A_107 = arith.constant 5.000000e-01 : f32
      %parallel_loop3A_108 = vector.broadcast %parallel_loop3A_107 : f32 to vector<16xf32>
      %parallel_loop3A_109 = arith.addf %parallel_loop3A_106, %parallel_loop3A_108 : vector<16xf32>
      %parallel_loop3A_110 = arith.fptosi %parallel_loop3A_109 : vector<16xf32> to vector<16xi32>
      %parallel_loop3A_111 = tpu.vector_load_idx %arg6[%parallel_loop3A_110] : memref<256xf32, #tpu.memory_space<vmem>>[vector<16xi32>], vector<16xf32>,
      %parallel_loop3A_112 = arith.index_cast %parallel_loop3A_45 : i32 to index
      %parallel_loop3A_113 = arith.constant 32 : index
      %parallel_loop3A_114 = tpu.vector_load %arg7[%parallel_loop3A_112, %parallel_loop3A_113] {strides = array<i32>} : memref<144x96xf32, #tpu.memory_space<vmem>>, vector<16xf32>,
      tpu.vector_store %arg7[%parallel_loop3A_112, %parallel_loop3A_113], %parallel_loop3A_111 {strides = array<i32>} : memref<144x96xf32, #tpu.memory_space<vmem>>, vector<16xf32>,
      %parallel_loop3A_115 = arith.index_cast %parallel_loop3A_45 : i32 to index
      %parallel_loop3A_116 = arith.constant 48 : index
      %parallel_loop3A_117 = tpu.vector_load %arg5[%parallel_loop3A_115, %parallel_loop3A_116] {strides = array<i32>} : memref<144x96xf32, #tpu.memory_space<vmem>>, vector<16xf32>,
      %parallel_loop3A_118 = arith.constant 0.000000e+00 : f32
      %parallel_loop3A_119 = vector.broadcast %parallel_loop3A_118 : f32 to vector<16xf32>
      %parallel_loop3A_120 = arith.subf %parallel_loop3A_117, %parallel_loop3A_119 : vector<16xf32>
      %parallel_loop3A_121 = arith.constant 2.550000e+02 : f32
      %parallel_loop3A_122 = vector.broadcast %parallel_loop3A_121 : f32 to vector<16xf32>
      %parallel_loop3A_123 = arith.mulf %parallel_loop3A_120, %parallel_loop3A_122 : vector<16xf32>
      %parallel_loop3A_124 = arith.constant 0.000000e+00 : f32
      %parallel_loop3A_125 = vector.broadcast %parallel_loop3A_124 : f32 to vector<16xf32>
      %parallel_loop3A_126 = arith.maximumf %parallel_loop3A_123, %parallel_loop3A_125 : vector<16xf32>
      %parallel_loop3A_127 = arith.constant 2.550000e+02 : f32
      %parallel_loop3A_128 = vector.broadcast %parallel_loop3A_127 : f32 to vector<16xf32>
      %parallel_loop3A_129 = arith.minimumf %parallel_loop3A_126, %parallel_loop3A_128 : vector<16xf32>
      %parallel_loop3A_130 = arith.constant 5.000000e-01 : f32
      %parallel_loop3A_131 = vector.broadcast %parallel_loop3A_130 : f32 to vector<16xf32>
      %parallel_loop3A_132 = arith.addf %parallel_loop3A_129, %parallel_loop3A_131 : vector<16xf32>
      %parallel_loop3A_133 = arith.fptosi %parallel_loop3A_132 : vector<16xf32> to vector<16xi32>
      %parallel_loop3A_134 = tpu.vector_load_idx %arg6[%parallel_loop3A_133] : memref<256xf32, #tpu.memory_space<vmem>>[vector<16xi32>], vector<16xf32>,
      %parallel_loop3A_135 = arith.index_cast %parallel_loop3A_45 : i32 to index
      %parallel_loop3A_136 = arith.constant 48 : index
      %parallel_loop3A_137 = tpu.vector_load %arg7[%parallel_loop3A_135, %parallel_loop3A_136] {strides = array<i32>} : memref<144x96xf32, #tpu.memory_space<vmem>>, vector<16xf32>,
      tpu.vector_store %arg7[%parallel_loop3A_135, %parallel_loop3A_136], %parallel_loop3A_134 {strides = array<i32>} : memref<144x96xf32, #tpu.memory_space<vmem>>, vector<16xf32>,
      %parallel_loop3A_138 = arith.index_cast %parallel_loop3A_45 : i32 to index
      %parallel_loop3A_139 = arith.constant 64 : index
      %parallel_loop3A_140 = tpu.vector_load %arg5[%parallel_loop3A_138, %parallel_loop3A_139] {strides = array<i32>} : memref<144x96xf32, #tpu.memory_space<vmem>>, vector<16xf32>,
      %parallel_loop3A_141 = arith.constant 0.000000e+00 : f32
      %parallel_loop3A_142 = vector.broadcast %parallel_loop3A_141 : f32 to vector<16xf32>
      %parallel_loop3A_143 = arith.subf %parallel_loop3A_140, %parallel_loop3A_142 : vector<16xf32>
      %parallel_loop3A_144 = arith.constant 2.550000e+02 : f32
      %parallel_loop3A_145 = vector.broadcast %parallel_loop3A_144 : f32 to vector<16xf32>
      %parallel_loop3A_146 = arith.mulf %parallel_loop3A_143, %parallel_loop3A_145 : vector<16xf32>
      %parallel_loop3A_147 = arith.constant 0.000000e+00 : f32
      %parallel_loop3A_148 = vector.broadcast %parallel_loop3A_147 : f32 to vector<16xf32>
      %parallel_loop3A_149 = arith.maximumf %parallel_loop3A_146, %parallel_loop3A_148 : vector<16xf32>
      %parallel_loop3A_150 = arith.constant 2.550000e+02 : f32
      %parallel_loop3A_151 = vector.broadcast %parallel_loop3A_150 : f32 to vector<16xf32>
      %parallel_loop3A_152 = arith.minimumf %parallel_loop3A_149, %parallel_loop3A_151 : vector<16xf32>
      %parallel_loop3A_153 = arith.constant 5.000000e-01 : f32
      %parallel_loop3A_154 = vector.broadcast %parallel_loop3A_153 : f32 to vector<16xf32>
      %parallel_loop3A_155 = arith.addf %parallel_loop3A_152, %parallel_loop3A_154 : vector<16xf32>
      %parallel_loop3A_156 = arith.fptosi %parallel_loop3A_155 : vector<16xf32> to vector<16xi32>
      %parallel_loop3A_157 = tpu.vector_load_idx %arg6[%parallel_loop3A_156] : memref<256xf32, #tpu.memory_space<vmem>>[vector<16xi32>], vector<16xf32>,
      %parallel_loop3A_158 = arith.index_cast %parallel_loop3A_45 : i32 to index
      %parallel_loop3A_159 = arith.constant 64 : index
      %parallel_loop3A_160 = tpu.vector_load %arg7[%parallel_loop3A_158, %parallel_loop3A_159] {strides = array<i32>} : memref<144x96xf32, #tpu.memory_space<vmem>>, vector<16xf32>,
      tpu.vector_store %arg7[%parallel_loop3A_158, %parallel_loop3A_159], %parallel_loop3A_157 {strides = array<i32>} : memref<144x96xf32, #tpu.memory_space<vmem>>, vector<16xf32>,
      %parallel_loop3A_161 = arith.index_cast %parallel_loop3A_45 : i32 to index
      %parallel_loop3A_162 = arith.constant 80 : index
      %parallel_loop3A_163 = tpu.vector_load %arg5[%parallel_loop3A_161, %parallel_loop3A_162] {strides = array<i32>} : memref<144x96xf32, #tpu.memory_space<vmem>>, vector<16xf32>,
      %parallel_loop3A_164 = arith.constant 0.000000e+00 : f32
      %parallel_loop3A_165 = vector.broadcast %parallel_loop3A_164 : f32 to vector<16xf32>
      %parallel_loop3A_166 = arith.subf %parallel_loop3A_163, %parallel_loop3A_165 : vector<16xf32>
      %parallel_loop3A_167 = arith.constant 2.550000e+02 : f32
      %parallel_loop3A_168 = vector.broadcast %parallel_loop3A_167 : f32 to vector<16xf32>
      %parallel_loop3A_169 = arith.mulf %parallel_loop3A_166, %parallel_loop3A_168 : vector<16xf32>
      %parallel_loop3A_170 = arith.constant 0.000000e+00 : f32
      %parallel_loop3A_171 = vector.broadcast %parallel_loop3A_170 : f32 to vector<16xf32>
      %parallel_loop3A_172 = arith.maximumf %parallel_loop3A_169, %parallel_loop3A_171 : vector<16xf32>
      %parallel_loop3A_173 = arith.constant 2.550000e+02 : f32
      %parallel_loop3A_174 = vector.broadcast %parallel_loop3A_173 : f32 to vector<16xf32>
      %parallel_loop3A_175 = arith.minimumf %parallel_loop3A_172, %parallel_loop3A_174 : vector<16xf32>
      %parallel_loop3A_176 = arith.constant 5.000000e-01 : f32
      %parallel_loop3A_177 = vector.broadcast %parallel_loop3A_176 : f32 to vector<16xf32>
      %parallel_loop3A_178 = arith.addf %parallel_loop3A_175, %parallel_loop3A_177 : vector<16xf32>
      %parallel_loop3A_179 = arith.fptosi %parallel_loop3A_178 : vector<16xf32> to vector<16xi32>
      %parallel_loop3A_180 = tpu.vector_load_idx %arg6[%parallel_loop3A_179] : memref<256xf32, #tpu.memory_space<vmem>>[vector<16xi32>], vector<16xf32>,
      %parallel_loop3A_181 = arith.index_cast %parallel_loop3A_45 : i32 to index
      %parallel_loop3A_182 = arith.constant 80 : index
      %parallel_loop3A_183 = tpu.vector_load %arg7[%parallel_loop3A_181, %parallel_loop3A_182] {strides = array<i32>} : memref<144x96xf32, #tpu.memory_space<vmem>>, vector<16xf32>,
      tpu.vector_store %arg7[%parallel_loop3A_181, %parallel_loop3A_182], %parallel_loop3A_180 {strides = array<i32>} : memref<144x96xf32, #tpu.memory_space<vmem>>, vector<16xf32>,
    } {sc.loop_unroll_factor = 2 : i64, sc.parallel_access}
    "tpu.region"() ({
      %run_scoped3A = tpu.sem_alloc : memref<!tpu.dma_semaphore, #tpu.memory_space<semaphore_mem>>
      %dma_start3A_45 = arith.constant 0 : i32
      %dma_start3A_46 = tpu.memref_slice %arg4[%select_n3A, %mul3A_32, %dma_start3A_45] : memref<8x576x96xf32, #tpu.memory_space<hbm>> -> memref<1x144x96xf32, #tpu.memory_space<hbm>>
      %dma_start3A_47 = tpu.memref_squeeze %dma_start3A_46 : memref<1x144x96xf32, #tpu.memory_space<hbm>> -> memref<144x96xf32, #tpu.memory_space<hbm>>
      %dma_start3A_48 = arith.constant 0 : i32
      %dma_start3A_49 = tpu.memref_slice %arg4[%select_n3A, %mul3A_32, %dma_start3A_48] : memref<8x576x96xf32, #tpu.memory_space<hbm>> -> memref<1x144x96xf32, #tpu.memory_space<hbm>>
      %dma_start3A_50 = tpu.memref_squeeze %dma_start3A_49 : memref<1x144x96xf32, #tpu.memory_space<hbm>> -> memref<144x96xf32, #tpu.memory_space<hbm>>
      tpu.enqueue_dma source(%arg7 : memref<144x96xf32, #tpu.memory_space<vmem>>) target(%dma_start3A_50 : memref<144x96xf32, #tpu.memory_space<hbm>>) target_semaphore(%run_scoped3A : memref<!tpu.dma_semaphore, #tpu.memory_space<semaphore_mem>>)
      %dma_wait3A_51 = arith.constant 0 : i32
      %dma_wait3A_52 = tpu.memref_slice %arg4[%select_n3A, %mul3A_32, %dma_wait3A_51] : memref<8x576x96xf32, #tpu.memory_space<hbm>> -> memref<1x144x96xf32, #tpu.memory_space<hbm>>
      %dma_wait3A_53 = tpu.memref_squeeze %dma_wait3A_52 : memref<1x144x96xf32, #tpu.memory_space<hbm>> -> memref<144x96xf32, #tpu.memory_space<hbm>>
      %dma_wait3A_54 = arith.constant 0 : i32
      %dma_wait3A_55 = tpu.memref_slice %arg4[%select_n3A, %mul3A_32, %dma_wait3A_54] : memref<8x576x96xf32, #tpu.memory_space<hbm>> -> memref<1x144x96xf32, #tpu.memory_space<hbm>>
      %dma_wait3A_56 = tpu.memref_squeeze %dma_wait3A_55 : memref<1x144x96xf32, #tpu.memory_space<hbm>> -> memref<144x96xf32, #tpu.memory_space<hbm>>
      tpu.wait_dma2 semaphore(%run_scoped3A : memref<!tpu.dma_semaphore, #tpu.memory_space<semaphore_mem>>) src(%arg7 : memref<144x96xf32, #tpu.memory_space<vmem>>) dst(%dma_wait3A_56 : memref<144x96xf32, #tpu.memory_space<hbm>>)
      tpu.yield
    }) : () -> ()
    return
  }
}

</mosaic_0001>

<sc_bundles>
// kernel: kernel.3.cloned.1.call-start
scs
__scs_entry_jumppad:
0x0: {  	(pc) =	sbr.rel $0x88, $3  }
0x1: {  	(tag) =	ssettag $0x0;
	lr =	simm.s32 $0x1  }
0x2: {  	[smem:$0x3F9F] =	sst lr;
	_ =	strace $0xD0000000  }
0x3: {  	_ = 	snop  }
0x4: {  	_ = 	snop  }
0x5: {  	_ = 	snop  }
0x6: {  	_ = 	snop  }
0x7: {  	_ = 	snop  }
__scs_overlays_trampoline_lowered:
0x8: {  	[smem:$0x3FAE] =	sst s0  }
0x9: {  	[smem:$0x3FAF] =	sst s1  }
0xa: {  	[smem:$0x3FB0] =	sst s2  }
0xb: {  	[smem:$0x3FB1] =	sst s3  }
0xc: {  	[smem:$0x3FB2] =	sst s4  }
0xd: {  	[smem:$0x3FB3] =	sst s5  }
0xe: {  	[smem:$0x3FB4] =	sst s6  }
0xf: {  	[smem:$0x3FB5] =	sst s7  }
0x10: {  	[smem:$0x3FB6] =	sst s8  }
0x11: {  	[smem:$0x3FB7] =	sst s9;
	s0 =	simm.s32 @!p0 $0x0  }
0x12: {  	s1 =	sld [smem:$0x3F9D];
	s0 =	simm.s32 @p0 $0x1  }
0x13: {  	[smem:$0x3FB8] =	sst s0;
	s0 =	simm.s32 @!p1 $0x0  }
0x14: {  	s2 =	sld [smem:$0x3F9C];
	s0 =	simm.s32 @p1 $0x1  }
0x15: {  	[smem:$0x3FB9] =	sst s0;
	s0 =	simm.s32 @!p2 $0x0  }
0x16: {  	s3 =	sld [smem:$0x3FDB];
	s0 =	simm.s32 @p2 $0x1  }
0x17: {  	s4 =	simm.s32 $0x1BF5;
	[smem:$0x3FBB] =	sst s0  }
0x18: {  	s0 =	sld [smem:$0x3F9E];
	_ =	swait.ge [sflag:s4], $0x0  }
0x19: {  	s7 =	sld [smem:$0x3F9F]  }
0x1a: {  	s8 =	sadd.s32 $0xFFFFE003, lr  }
0x1b: {  	s9 =	sadd.s32 $0xFFFFFEF7, lr;
	s5 =	simm.s32 $0xFFFFFFFF;
	p2 =	slt.u32 s8, $0xFFFFF086  }
0x1c: {  	p1 =	slt.u32 s9, $0xF7A;
	s5 =	simm.s32 @!p2 $0x0  }
0x1d: {  	s5 =	simm.s32 @p1 $0x1;
	p0 =	seq.s32 s7, s2  }
0x1e: {  	s7 =	smul.u32 @!p0 $0xF7A, s2;
	p2 =	seq.s32 @!p0 s5, $0x0  }
0x1f: {  	s9 =	smul.u32 $0xF7A, s1;
	s8 =	simm.s32 @!p0 $0x1BF5;
	p2 =	por !p2, p0  }
0x20: {  	[sflag:s8] =	ssyncset.s32 @!p0 $0xFFFFF086;
	s6 =	sadd.s32 @!p0 s3, s7;
	s7 =	simm.s32 @!p0 $0x108  }
0x21: {  	s3 =	sadd.s32 s3, s9;
	s6 =	sadd.s32 @!p0 $0x88, s6;
	s7 =	simm.s32 @p2 $0x1082  }
0x22: {  	[simem:s7], [sflag:s8] =	dma.local @!p0 [hbm:s6], $0xF7A  }
0x23: {  	s9 =	sor.u32 $0xD0000000, s2;
	s6 =	simm.s32 $0x108;
	_ =	swait.ge @!p0 [sflag:s8], $0x0  }
0x24: {  	s3 =	sadd.s32 $0x88, s3;
	s6 =	simm.s32 @!p1 $0x1082;
	[sflag:s4] =	ssyncset.s32 $0xFFFFF086  }
0x25: {  	[simem:s6], [sflag:s4] =	dma.local [hbm:s3], $0xF7A  }
0x26: {  	[smem:$0x3F9F] =	sst s1;
	(tag) =	ssettag s2;
	_ =	strace s9  }
0x27: {  	s1 =	sld [smem:$0x3FAF]  }
0x28: {  	s2 =	sld [smem:$0x3FB0]  }
0x29: {  	s4 =	sld [smem:$0x3FB2]  }
0x2a: {  	p0 =	seq.s32 s5, $0x0;
	s5 =	sld [smem:$0x3FB3]  }
0x2b: {  	s6 =	sld [smem:$0x3FB4]  }
0x2c: {  	s7 =	sld [smem:$0x3FB5]  }
0x2d: {  	s3 =	simm.s32 $0x108;
	s8 =	sld [smem:$0x3FB6]  }
0x2e: {  	s3 =	simm.s32 @!p0 $0x1082;
	s9 =	sld [smem:$0x3FB7]  }
0x2f: {  	lr =	sadd.s32 s0, s3;
	s0 =	sld [smem:$0x3FAE]  }
0x30: {  	s3 =	sld [smem:$0x3FB1]  }
0x31: {  	[smem:$0x3FBA] =	sst s10  }
0x32: {  	s10 =	sld [smem:$0x3FB8];
	_ =	sdelay $0x3  }
0x33: {  	p0 =	seq.s32 s10, $0x1;
	s10 =	sld [smem:$0x3FBA];
	_ =	sdelay $0x3  }
0x34: {  	[smem:$0x3FBA] =	sst s10  }
0x35: {  	s10 =	sld [smem:$0x3FB9];
	_ =	sdelay $0x3  }
0x36: {  	p1 =	seq.s32 s10, $0x1;
	s10 =	sld [smem:$0x3FBA];
	_ =	sdelay $0x3  }
0x37: {  	[smem:$0x3FBA] =	sst s10  }
0x38: {  	s10 =	sld [smem:$0x3FBB]  }
0x39: {  	_ = 	snop;
	(pc) =	sbr.ind lr, $3  }
0x3a: {  	_ = 	snop  }
0x3b: {  	_ = 	snop  }
0x3c: {  	p2 =	seq.s32 s10, $0x1;
	s10 =	sld [smem:$0x3FBA]  }
0x3d: {  	_ =	shalt  }
0x3e: {  	_ =	shalt  }
0x3f: {  	_ =	shalt  }
0x40: {  	_ =	shalt  }
0x41: {  	_ =	shalt  }
0x42: {  	_ =	shalt  }
0x43: {  	_ =	shalt  }
0x44: {  	_ =	shalt  }
0x45: {  	_ =	shalt  }
0x46: {  	_ =	shalt  }
0x47: {  	_ =	shalt  }
0x48: {  	_ =	shalt  }
0x49: {  	_ =	shalt  }
0x4a: {  	_ =	shalt  }
0x4b: {  	_ =	shalt  }
0x4c: {  	_ =	shalt  }
0x4d: {  	_ =	shalt  }
0x4e: {  	_ =	shalt  }
0x4f: {  	_ =	shalt  }
0x50: {  	_ =	shalt  }
0x51: {  	_ =	shalt  }
0x52: {  	_ =	shalt  }
0x53: {  	_ =	shalt  }
0x54: {  	_ =	shalt  }
0x55: {  	_ =	shalt  }
0x56: {  	_ =	shalt  }
0x57: {  	_ =	shalt  }
0x58: {  	_ =	shalt  }
0x59: {  	_ =	shalt  }
0x5a: {  	_ =	shalt  }
0x5b: {  	_ =	shalt  }
0x5c: {  	_ =	shalt  }
0x5d: {  	_ =	shalt  }
0x5e: {  	_ =	shalt  }
0x5f: {  	_ =	shalt  }
0x60: {  	_ =	shalt  }
0x61: {  	_ =	shalt  }
0x62: {  	_ =	shalt  }
0x63: {  	_ =	shalt  }
0x64: {  	_ =	shalt  }
0x65: {  	_ =	shalt  }
0x66: {  	_ =	shalt  }
0x67: {  	_ =	shalt  }
0x68: {  	_ =	shalt  }
0x69: {  	_ =	shalt  }
0x6a: {  	_ =	shalt  }
0x6b: {  	_ =	shalt  }
0x6c: {  	_ =	shalt  }
0x6d: {  	_ =	shalt  }
0x6e: {  	_ =	shalt  }
0x6f: {  	_ =	shalt  }
0x70: {  	_ =	shalt  }
0x71: {  	_ =	shalt  }
0x72: {  	_ =	shalt  }
0x73: {  	_ =	shalt  }
0x74: {  	_ =	shalt  }
0x75: {  	_ =	shalt  }
0x76: {  	_ =	shalt  }
0x77: {  	_ =	shalt  }
0x78: {  	_ =	shalt  }
0x79: {  	_ =	shalt  }
0x7a: {  	_ =	shalt  }
0x7b: {  	_ =	shalt  }
0x7c: {  	_ =	shalt  }
0x7d: {  	_ =	shalt  }
0x7e: {  	_ =	shalt  }
0x7f: {  	_ =	shalt  }
0x80: {  	_ =	shalt  }
0x81: {  	_ =	shalt  }
0x82: {  	_ =	shalt  }
0x83: {  	_ =	shalt  }
0x84: {  	_ =	shalt  }
0x85: {  	_ =	shalt  }
0x86: {  	_ =	shalt  }
0x87: {  	_ =	shalt  }
.Lfunc_end0:
.L_simem_size_0:
called_computation_lowered:
.L_overlay_start_0:
0x88: {  	s2 =	sld [smem:$0x3FD9]  }
0x89: {  	s3 =	sld [smem:$0x3FFE];
	_ =	sdelay $0x1  }
0x8a: {  	s1 =	srdreg.scid  }
0x8b: {  	s0 =	sand.u32 $0x1, s1  }
0x8c: {  	s17 =	sshll.u32 s0, $0xA;
	s2 =	sadd.s32 s3, s2  }
0x8d: {  	s2 =	sadd.s32 s2, s17  }
0x8e: {  	[smem:$0x3FC6] =	sst s2  }
0x8f: {  	_ = 	snop  }
0x90: {  	s2 =	sld [smem:$0x3FC8];
	(tm) =	ssettm $0x1  }
0x91: {  	s18 =	sld [smem:$0x3FFB];
	_ =	sdelay $0x3  }
0x92: {  	_ =	strace s18  }
0x93: {  	s3 =	sld [smem:$0x3FFC];
	_ =	sdelay $0x3  }
0x94: {  	_ =	strace s3  }
0x95: {  	s3 =	sld [smem:$0x3FFD];
	_ =	sdelay $0x3  }
0x96: {  	_ =	strace s3  }
0x97: {  	_ =	strace $0x8FFFFFFF  }
0x98: {  	s19 =	sld [smem:$0x3FDB];
	_ =	sdelay $0x1  }
0x99: {  	s4 =	simm.s32 $_scs_section_size  }
0x9a: {  	s5 =	simm.s32 $_size__tile_overlayer_lowered;
	s6 =	simm.s32 $_tile_overlayer_lowered  }
0x9b: {  	s22 =	simm.s32 $0x1BFF;
	s21 =	sshll.u32 s6, $0x1;
	s3 =	sadd.s32 s4, s19  }
0x9c: {  	s7 =	simm.s32 $0x0;
	s20 =	sshll.u32 s5, $0x1;
	s5 =	sadd.s32 s21, s3  }
0x9d: {  	[timem:s7], [sflag:s22] =	dma.local [hbm:s5], s20  }
0x9e: {  	_ =	swait.ge [sflag:s22], s20  }
0x9f: {  	s4 =	ssub.s32 $0x0, s20;
	[sflag:s22] =	ssyncset.done $0x0  }
0xa0: {  	[sflag:s22] =	ssyncadd.s32 s4;
	_ =	sdelay $0x1  }
0xa1: {  	s23 =	simm.s32 $0x1B8B  }
0xa2: {  	_ =	swait.ge [sflag:s23], $0x1  }
0xa3: {  	[sflag:s23] =	ssyncset.done $0x0  }
0xa4: {  	s25 =	simm.s32 $0x1B8E;
	s24 =	sld [smem:$0x3FFE];
	[sflag:s23] =	ssyncadd.s32 $0xFFFFFFFF  }
0xa5: {  	s26 =	simm.s32 $execute0_lowered;
	[smem:$0x3FD2] =	sst s25  }
0xa6: {  	s5 =	sshll.u32 s26, $0x1;
	_ =	strace $0x80000046;
	[dreg:$0x1] =	wrdreg $0xFFFFFFFF  }
0xa7: {  	s28 =	simm.s32 $_size_execute0_lowered;
	s3 =	sadd.s32 s3, s5;
	[dreg:$0x0] =	wrdreg $0x0  }
0xa8: {  	s5 =	sshll.u32 s28, $0x1;
	[dreg:$0x2] =	wrdreg s3  }
0xa9: {  	[dreg:$0x3] =	wrdreg s5  }
0xaa: {  	[dreg:$0x4] =	wrdreg $0xC0  }
0xab: {  	_ =	task [dreg:s7], $0x5FFFF  }
0xac: {  	[dreg:$0x1] =	wrdreg $0xFFFFFFFF  }
0xad: {  	[dreg:$0x0] =	wrdreg $0x60  }
0xae: {  	[dreg:$0x2] =	wrdreg s24  }
0xaf: {  	[dreg:$0x3] =	wrdreg s2  }
0xb0: {  	[dreg:$0x4] =	wrdreg $0x9  }
0xb1: {  	_ =	task.clear_ibuf [dreg:s7], $0x5FFFF;
	_ =	strace $0x90000046  }
0xb2: {  	s29 =	simm.s32 $0x9;
	_ =	strace $0x80000048  }
0xb3: {  	_ =	swait.ge [sflag:s29], $0x1  }
0xb4: {  	[sflag:s29] =	ssyncadd.s32 $0xFFFFFFFF  }
0xb5: {  	_ =	strace $0x90000048  }
0xb6: {  	_ =	sfence  }
0xb7: {  	s30 =	sld [smem:$0x0];
	_ =	sdelay $0x2  }
0xb8: {  	s31 =	sshll.u32 s1, $0xD;
	s1 =	sshrl.u32 s1, $0x2  }
0xb9: {  	s3 =	sand.u32 $0x4000, s31;
	s1 =	sadd.s32 s1, s30  }
0xba: {  	s0 =	sor.u32 s3, s0;
	s1 =	sshll.u32 s1, $0x11  }
0xbb: {  	s0 =	sor.u32 s1, s0  }
0xbc: {  	s0 =	sadd.s32 $0x8F2B, s0  }
0xbd: {  	[sflag:s0] =	ssyncadd.remote.s32 $0x1  }
0xbe: {  	_ =	sfence.sel $0xFFFF  }
0xbf: {  	[dreg:$0x0] =	wrdreg $0xFFFFFFFF;
	(pc) =	sbr.abs _section_cstart, $3  }
0xc0: {  	[dreg:$0x1] =	wrdreg $0xFFFFFFFF  }
0xc1: {  	_ =	task.clear_ibuf [dreg:s7], $0x2FFFF;
	_ =	strace $0x9FFFFFFF  }
0xc2: {  	(tm) =	ssettm $0x7FFFFFFF  }
0xc3: {  	_ =	shalt  }
tec
execute0_lowered:
.L_overlay_start_1:
0x0: {  	(tag) =	ssettag $0x1  }
0x1: {  	s2 =	stileid.u32  }
0x2: {  	s0 =	srdreg.scid;
	s4 =	rddreg [dreg:$0x0];
	s1 =	sshll.u32 s2, $0x1  }
0x3: {  	s0 =	sand.u32 $0x1, s0;
	s2 =	sshrl.u32 s2, $0x1;
	s1 =	sand.u32 $0x2, s1  }
0x4: {  	s3 =	simm.s32 $0x0;
	s2 =	smul.u32 $0x12000, s2;
	s1 =	sor.u32 s0, s1  }
0x5: {  	s7 =	simm.s32 $0x4800;
	s8 =	simm.s32 $0x1;
	s1 =	smul.u32 $0x4800, s1  }
0x6: {  	s9 =	simm.s32 $0x2;
	s10 =	simm.s32 $0x4900;
	s11 =	simm.s32 $0x3  }
0x7: {  	s12 =	simm.s32 $0x0;
	s0 =	ssub.s32 $0x2, s0;
	s1 =	sadd.s32 s2, s1  }
0x8: {  	[smem:$0x7FF] =	sst s3;
	s31 =	sshrl.u32 s0, $0x1;
	s1 =	sshrl.u32 s1, $0x3  }
0x9: {  	_ =	strace $0x80000047;
	s0 =	ssub.s32 s0, s31;
	s1 =	sadd.s32 s1, s4  }
0xa: {  	s6 =	smax.u32 s0, $0x1;
	s4 =	sadd.s32 $0x400, s1;
	s5 =	sadd.s32 $0x12400, s1  }
.LBB2_1:
0xb: {  	s0 =	rddreg [dreg:$0x1]  }
0xc: {  	[tilespmem:s7], [sflag:$0x1] =	stream.linear.gather [hbm4b:s0+s3], $0x100, $0x38;
	[tilespmem:$0x9100] =	vst v63  }
0xd: {  	_ = 	snop  }
0xe: {  	[tilespmem:s3], [sflag:$0x2] =	stream.linear.gather [hbm4b:s4+s3], $0x4800, $0x38;
	[tilespmem:$0x9100] =	vst v63  }
0xf: {  	_ =	swait.ge [sflag:s8], $0x100  }
0x10: {  	[sflag:s8] =	ssyncset.done $0x0  }
0x11: {  	[sflag:s8] =	ssyncadd.s32 $0xFFFFFF00  }
0x12: {  	_ =	swait.ge [sflag:s9], $0x4800  }
0x13: {  	[sflag:s9] =	ssyncset.done $0x0  }
0x14: {  	s30 =	simm.s32 $0x80;
	[sflag:s9] =	ssyncadd.s32 $0xFFFFB800  }
0x15: {  	v0 =	vld [tilespmem:s30+$0x0];
	_ =	sdelay $0x4  }
0x16: {  	v0 =	vmul.f32 $2.550000000e+02, v0;
	_ =	sdelay $0x1  }
0x17: {  	v0 =	vmax.f32 v0, $0.0e+00  }
0x18: {  	v0 =	vmin.f32 v0, $2.550000000e+02  }
0x19: {  	v0 =	vadd.f32 $5.000000000e-01, v0;
	_ =	sdelay $0x1  }
0x1a: {  	v0 =	vtrunc.f32 v0  }
0x1b: {  	v1 =	vld [tilespmem:s30+$0xFFFFFF80];
	v0 =	vcvt.f32.s32 v0;
	_ =	sdelay $0x1  }
0x1c: {  	s25 =	simm.s32 $0x180  }
0x1d: {  	v2 =	vld [tilespmem:s25+$0x0];
	_ =	sdelay $0x1  }
0x1e: {  	v1 =	vmul.f32 $2.550000000e+02, v1  }
0x1f: {  	v0 =	vld.idx.msk [tilespmem:v0+s7+$0x0], $0xffff  }
0x20: {  	v1 =	vmax.f32 v1, $0.0e+00  }
0x21: {  	v3 =	vld [tilespmem:s25+$0xFFFFFF80];
	v2 =	vmul.f32 $2.550000000e+02, v2;
	v1 =	vmin.f32 v1, $2.550000000e+02  }
0x22: {  	v1 =	vadd.f32 $5.000000000e-01, v1  }
0x23: {  	s13 =	simm.s32 $0x4980;
	v2 =	vmax.f32 v2, $0.0e+00  }
0x24: {  	v1 =	vtrunc.f32 v1;
	[tilespmem:s13+$0x0] =	vst v0;
	v0 =	vmin.f32 v2, $2.550000000e+02  }
0x25: {  	v1 =	vcvt.f32.s32 v1;
	v2 =	vld [tilespmem:s30+$0x10];
	v0 =	vadd.f32 $5.000000000e-01, v0  }
0x26: {  	v3 =	vmul.f32 $2.550000000e+02, v3  }
0x27: {  	v0 =	vtrunc.f32 v0  }
0x28: {  	v3 =	vmax.f32 v3, $0.0e+00;
	v0 =	vcvt.f32.s32 v0  }
0x29: {  	s21 =	simm.s32 $0x280;
	v3 =	vmin.f32 v3, $2.550000000e+02  }
0x2a: {  	v4 =	vld [tilespmem:s21+$0x0];
	v3 =	vadd.f32 $5.000000000e-01, v3;
	v2 =	vmul.f32 $2.550000000e+02, v2  }
0x2b: {  	v1 =	vld.idx.msk [tilespmem:v1+s7+$0x0], $0xffff  }
0x2c: {  	v3 =	vtrunc.f32 v3;
	v2 =	vmax.f32 v2, $0.0e+00  }
0x2d: {  	v3 =	vcvt.f32.s32 v3;
	v2 =	vmin.f32 v2, $2.550000000e+02  }
0x2e: {  	v2 =	vadd.f32 $5.000000000e-01, v2;
	v0 =	vld.idx.msk [tilespmem:v0+s7+$0x0], $0xffff;
	_ =	sdelay $0x1  }
0x2f: {  	v4 =	vmul.f32 $2.550000000e+02, v4;
	[tilespmem:s13+$0xFFFFFF80] =	vst v1;
	v2 =	vtrunc.f32 v2  }
0x30: {  	v1 =	vld [tilespmem:s30+$0xFFFFFF90];
	v2 =	vcvt.f32.s32 v2  }
0x31: {  	s14 =	simm.s32 $0x4A80;
	v4 =	vmax.f32 v4, $0.0e+00  }
0x32: {  	v4 =	vmin.f32 v4, $2.550000000e+02;
	v3 =	vld.idx.msk [tilespmem:v3+s7+$0x0], $0xffff;
	[tilespmem:s14+$0x0] =	vst v0  }
0x33: {  	v0 =	vadd.f32 $5.000000000e-01, v4;
	v4 =	vld [tilespmem:s25+$0x10];
	_ =	sdelay $0x1  }
0x34: {  	v5 =	vld [tilespmem:s21+$0xFFFFFF80];
	v1 =	vmul.f32 $2.550000000e+02, v1  }
0x35: {  	v0 =	vtrunc.f32 v0;
	v2 =	vld.idx.msk [tilespmem:v2+s7+$0x0], $0xffff  }
0x36: {  	v1 =	vmax.f32 v1, $0.0e+00;
	v0 =	vcvt.f32.s32 v0  }
0x37: {  	[tilespmem:s14+$0xFFFFFF80] =	vst v3;
	v1 =	vmin.f32 v1, $2.550000000e+02;
	v3 =	vmul.f32 $2.550000000e+02, v4  }
0x38: {  	s18 =	simm.s32 $0x380;
	v1 =	vadd.f32 $5.000000000e-01, v1  }
0x39: {  	v6 =	vld [tilespmem:s18+$0xFFFFFF80];
	v3 =	vmax.f32 v3, $0.0e+00  }
0x3a: {  	v7 =	vld [tilespmem:s18+$0x0];
	v1 =	vtrunc.f32 v1;
	[tilespmem:s13+$0x10] =	vst v2;
	v2 =	vmul.f32 $2.550000000e+02, v5;
	v3 =	vmin.f32 v3, $2.550000000e+02  }
0x3b: {  	v1 =	vcvt.f32.s32 v1;
	v5 =	vld [tilespmem:s30+$0x20];
	v3 =	vadd.f32 $5.000000000e-01, v3  }
0x3c: {  	v0 =	vld.idx.msk [tilespmem:v0+s7+$0x0], $0xffff;
	v2 =	vmax.f32 v2, $0.0e+00  }
0x3d: {  	v2 =	vmin.f32 v2, $2.550000000e+02;
	v3 =	vtrunc.f32 v3  }
0x3e: {  	v6 =	vmul.f32 $2.550000000e+02, v6;
	v4 =	vld [tilespmem:s25+$0xFFFFFF90];
	v2 =	vadd.f32 $5.000000000e-01, v2;
	v3 =	vcvt.f32.s32 v3  }
0x3f: {  	v7 =	vmul.f32 $2.550000000e+02, v7  }
0x40: {  	s15 =	simm.s32 $0x4B80;
	v6 =	vmax.f32 v6, $0.0e+00;
	v5 =	vmul.f32 $2.550000000e+02, v5;
	v2 =	vtrunc.f32 v2  }
0x41: {  	s19 =	simm.s32 $0x480;
	v7 =	vmax.f32 v7, $0.0e+00;
	v1 =	vld.idx.msk [tilespmem:v1+s7+$0x0], $0xffff;
	[tilespmem:s15+$0x0] =	vst v0;
	v0 =	vcvt.f32.s32 v2;
	v2 =	vmin.f32 v6, $2.550000000e+02  }
0x42: {  	v8 =	vld [tilespmem:s19+$0xFFFFFF80];
	v7 =	vmin.f32 v7, $2.550000000e+02;
	v5 =	vmax.f32 v5, $0.0e+00;
	v2 =	vadd.f32 $5.000000000e-01, v2  }
0x43: {  	v9 =	vld [tilespmem:s19+$0x0];
	v7 =	vadd.f32 $5.000000000e-01, v7;
	v4 =	vmul.f32 $2.550000000e+02, v4;
	v5 =	vmin.f32 v5, $2.550000000e+02  }
0x44: {  	v5 =	vadd.f32 $5.000000000e-01, v5;
	v2 =	vtrunc.f32 v2;
	v3 =	vld.idx.msk [tilespmem:v3+s7+$0x0], $0xffff  }
0x45: {  	v7 =	vtrunc.f32 v7;
	v4 =	vmax.f32 v4, $0.0e+00;
	v6 =	vld [tilespmem:s21+$0x10];
	v2 =	vcvt.f32.s32 v2  }
0x46: {  	[tilespmem:s13+$0xFFFFFF90] =	vst v1;
	v1 =	vcvt.f32.s32 v7;
	v4 =	vmin.f32 v4, $2.550000000e+02;
	v5 =	vtrunc.f32 v5  }
0x47: {  	v4 =	vadd.f32 $5.000000000e-01, v4;
	v5 =	vcvt.f32.s32 v5;
	v0 =	vld.idx.msk [tilespmem:v0+s7+$0x0], $0xffff  }
0x48: {  	v7 =	vmul.f32 $2.550000000e+02, v8  }
0x49: {  	v8 =	vld [tilespmem:s30+$0xFFFFFFA0];
	v4 =	vtrunc.f32 v4;
	[tilespmem:s14+$0x10] =	vst v3  }
0x4a: {  	v7 =	vmax.f32 v7, $0.0e+00;
	v3 =	vmul.f32 $2.550000000e+02, v6;
	v6 =	vmul.f32 $2.550000000e+02, v9;
	v9 =	vld [tilespmem:s25+$0x20]  }
0x4b: {  	v7 =	vmin.f32 v7, $2.550000000e+02;
	v4 =	vcvt.f32.s32 v4;
	v2 =	vld.idx.msk [tilespmem:v2+s7+$0x0], $0xffff  }
0x4c: {  	v7 =	vadd.f32 $5.000000000e-01, v7;
	v3 =	vmax.f32 v3, $0.0e+00;
	[tilespmem:s15+$0xFFFFFF80] =	vst v0;
	v0 =	vld.idx.msk [tilespmem:v1+s7+$0x0], $0xffff  }
0x4d: {  	v6 =	vmax.f32 v6, $0.0e+00;
	v3 =	vmin.f32 v3, $2.550000000e+02;
	v5 =	vld.idx.msk [tilespmem:v5+s7+$0x0], $0xffff  }
0x4e: {  	v6 =	vmin.f32 v6, $2.550000000e+02;
	v1 =	vtrunc.f32 v7;
	v3 =	vadd.f32 $5.000000000e-01, v3  }
0x4f: {  	s16 =	simm.s32 $0x4C80;
	v8 =	vmul.f32 $2.550000000e+02, v8;
	v6 =	vadd.f32 $5.000000000e-01, v6;
	v1 =	vcvt.f32.s32 v1  }
0x50: {  	v7 =	vmul.f32 $2.550000000e+02, v9;
	v9 =	vld [tilespmem:s21+$0xFFFFFF90];
	v3 =	vtrunc.f32 v3;
	[tilespmem:s16+$0xFFFFFF80] =	vst v2  }
0x51: {  	s22 =	simm.s32 $0x580;
	v4 =	vld.idx.msk [tilespmem:v4+s7+$0x0], $0xffff;
	v2 =	vtrunc.f32 v6;
	v6 =	vmax.f32 v8, $0.0e+00;
	v3 =	vcvt.f32.s32 v3;
	[tilespmem:s16+$0x0] =	vst v0  }
0x52: {  	v0 =	vld [tilespmem:s22+$0xFFFFFF80];
	[tilespmem:s13+$0x20] =	vst v5;
	v5 =	vmin.f32 v6, $2.550000000e+02;
	v6 =	vmax.f32 v7, $0.0e+00  }
0x53: {  	v7 =	vld [tilespmem:s30+$0x30];
	v5 =	vadd.f32 $5.000000000e-01, v5;
	v6 =	vmin.f32 v6, $2.550000000e+02  }
0x54: {  	v2 =	vcvt.f32.s32 v2;
	v10 =	vld [tilespmem:s18+$0x10];
	v6 =	vadd.f32 $5.000000000e-01, v6  }
0x55: {  	v11 =	vld [tilespmem:s22+$0x0];
	v9 =	vmul.f32 $2.550000000e+02, v9;
	v5 =	vtrunc.f32 v5  }
0x56: {  	v1 =	vld.idx.msk [tilespmem:v1+s7+$0x0], $0xffff;
	v6 =	vtrunc.f32 v6;
	v5 =	vcvt.f32.s32 v5  }
0x57: {  	[tilespmem:s14+$0xFFFFFF90] =	vst v4;
	v3 =	vld.idx.msk [tilespmem:v3+s7+$0x0], $0xffff;
	v9 =	vmax.f32 v9, $0.0e+00;
	v0 =	vmul.f32 $2.550000000e+02, v0;
	v6 =	vcvt.f32.s32 v6  }
0x58: {  	s24 =	simm.s32 $0x680;
	v4 =	vmin.f32 v9, $2.550000000e+02;
	v9 =	vld [tilespmem:s25+$0xFFFFFFA0];
	v7 =	vmul.f32 $2.550000000e+02, v7  }
0x59: {  	v12 =	vld [tilespmem:s24+$0xFFFFFF80];
	v10 =	vmul.f32 $2.550000000e+02, v10;
	v0 =	vmax.f32 v0, $0.0e+00  }
0x5a: {  	s17 =	simm.s32 $0x4D80;
	v8 =	vld [tilespmem:s18+$0xFFFFFF90];
	v0 =	vmin.f32 v0, $2.550000000e+02;
	v7 =	vmax.f32 v7, $0.0e+00  }
0x5b: {  	v2 =	vld.idx.msk [tilespmem:v2+s7+$0x0], $0xffff;
	[tilespmem:s17+$0xFFFFFF80] =	vst v1;
	v1 =	vmax.f32 v10, $0.0e+00;
	v0 =	vadd.f32 $5.000000000e-01, v0;
	v7 =	vmin.f32 v7, $2.550000000e+02  }
0x5c: {  	v11 =	vmul.f32 $2.550000000e+02, v11;
	v1 =	vmin.f32 v1, $2.550000000e+02;
	v7 =	vadd.f32 $5.000000000e-01, v7;
	v5 =	vld.idx.msk [tilespmem:v5+s7+$0x0], $0xffff  }
0x5d: {  	[tilespmem:s15+$0x10] =	vst v3;
	v1 =	vadd.f32 $5.000000000e-01, v1;
	v0 =	vtrunc.f32 v0;
	v9 =	vmul.f32 $2.550000000e+02, v9;
	v6 =	vld.idx.msk [tilespmem:v6+s7+$0x0], $0xffff  }
0x5e: {  	v3 =	vmax.f32 v11, $0.0e+00;
	v11 =	vld [tilespmem:s21+$0x20];
	v0 =	vcvt.f32.s32 v0;
	v7 =	vtrunc.f32 v7  }
0x5f: {  	v4 =	vadd.f32 $5.000000000e-01, v4;
	v10 =	vld [tilespmem:s19+$0xFFFFFF90];
	v1 =	vtrunc.f32 v1;
	v7 =	vcvt.f32.s32 v7  }
0x60: {  	v12 =	vmul.f32 $2.550000000e+02, v12;
	[tilespmem:s17+$0x0] =	vst v2;
	v1 =	vcvt.f32.s32 v1  }
0x61: {  	v4 =	vtrunc.f32 v4;
	[tilespmem:s13+$0xFFFFFFA0] =	vst v5;
	v5 =	vmul.f32 $2.550000000e+02, v8;
	v8 =	vmax.f32 v9, $0.0e+00;
	v9 =	vld [tilespmem:s19+$0x10]  }
0x62: {  	v4 =	vcvt.f32.s32 v4;
	v3 =	vmin.f32 v3, $2.550000000e+02;
	v2 =	vld [tilespmem:s30+$0xFFFFFFB0];
	[tilespmem:s14+$0x20] =	vst v6  }
0x63: {  	v12 =	vmax.f32 v12, $0.0e+00;
	v3 =	vadd.f32 $5.000000000e-01, v3;
	v6 =	vmul.f32 $2.550000000e+02, v11;
	v11 =	vld [tilespmem:s25+$0x30]  }
0x64: {  	v12 =	vmin.f32 v12, $2.550000000e+02;
	v10 =	vmul.f32 $2.550000000e+02, v10;
	v8 =	vmin.f32 v8, $2.550000000e+02;
	v0 =	vld.idx.msk [tilespmem:v0+s7+$0x0], $0xffff  }
0x65: {  	v12 =	vadd.f32 $5.000000000e-01, v12;
	v3 =	vtrunc.f32 v3;
	v8 =	vadd.f32 $5.000000000e-01, v8;
	v7 =	vld.idx.msk [tilespmem:v7+s7+$0x0], $0xffff  }
0x66: {  	v3 =	vcvt.f32.s32 v3;
	v10 =	vmax.f32 v10, $0.0e+00;
	v5 =	vmax.f32 v5, $0.0e+00;
	v1 =	vld.idx.msk [tilespmem:v1+s7+$0x0], $0xffff  }
0x67: {  	v6 =	vmax.f32 v6, $0.0e+00;
	v5 =	vmin.f32 v5, $2.550000000e+02;
	v8 =	vtrunc.f32 v8  }
0x68: {  	s20 =	simm.s32 $0x4E80;
	v4 =	vld.idx.msk [tilespmem:v4+s7+$0x0], $0xffff;
	v6 =	vmin.f32 v6, $2.550000000e+02;
	v5 =	vadd.f32 $5.000000000e-01, v5;
	v8 =	vcvt.f32.s32 v8  }
0x69: {  	s26 =	simm.s32 $0x780;
	v13 =	vld [tilespmem:s24+$0x0];
	v6 =	vadd.f32 $5.000000000e-01, v6;
	v9 =	vmul.f32 $2.550000000e+02, v9;
	v11 =	vmul.f32 $2.550000000e+02, v11;
	[tilespmem:s20+$0xFFFFFF80] =	vst v0  }
0x6a: {  	v14 =	vld [tilespmem:s26+$0x0];
	v5 =	vtrunc.f32 v5;
	v2 =	vmul.f32 $2.550000000e+02, v2;
	[tilespmem:s13+$0x30] =	vst v7;
	v7 =	vmin.f32 v10, $2.550000000e+02  }
0x6b: {  	v6 =	vtrunc.f32 v6;
	[tilespmem:s16+$0x10] =	vst v1;
	v0 =	vmax.f32 v11, $0.0e+00;
	v11 =	vld [tilespmem:s22+$0xFFFFFF90];
	v7 =	vadd.f32 $5.000000000e-01, v7  }
0x6c: {  	v6 =	vcvt.f32.s32 v6;
	v1 =	vtrunc.f32 v12;
	v12 =	vld [tilespmem:s18+$0x20];
	v0 =	vmin.f32 v0, $2.550000000e+02  }
0x6d: {  	[tilespmem:s15+$0xFFFFFF90] =	vst v4;
	v2 =	vmax.f32 v2, $0.0e+00;
	v10 =	vld [tilespmem:s30+$0x40];
	v4 =	vadd.f32 $5.000000000e-01, v0;
	v7 =	vtrunc.f32 v7  }
0x6e: {  	v1 =	vcvt.f32.s32 v1;
	v2 =	vmin.f32 v2, $2.550000000e+02;
	v8 =	vld.idx.msk [tilespmem:v8+s7+$0x0], $0xffff;
	v0 =	vcvt.f32.s32 v7  }
0x6f: {  	v3 =	vld.idx.msk [tilespmem:v3+s7+$0x0], $0xffff;
	v2 =	vadd.f32 $5.000000000e-01, v2;
	v7 =	vmul.f32 $2.550000000e+02, v13;
	v4 =	vtrunc.f32 v4  }
0x70: {  	v5 =	vcvt.f32.s32 v5;
	v9 =	vmax.f32 v9, $0.0e+00;
	v13 =	vld [tilespmem:s21+$0xFFFFFFA0];
	v4 =	vcvt.f32.s32 v4  }
0x71: {  	v15 =	vld [tilespmem:s26+$0xFFFFFF80];
	v2 =	vtrunc.f32 v2;
	v12 =	vmul.f32 $2.550000000e+02, v12;
	v7 =	vmax.f32 v7, $0.0e+00  }
0x72: {  	s29 =	simm.s32 $0x880;
	v2 =	vcvt.f32.s32 v2;
	v6 =	vld.idx.msk [tilespmem:v6+s7+$0x0], $0xffff;
	v10 =	vmul.f32 $2.550000000e+02, v10;
	v7 =	vmin.f32 v7, $2.550000000e+02  }
0x73: {  	v17 =	vld [tilespmem:s29+$0xFFFFFF80];
	[tilespmem:s14+$0xFFFFFFA0] =	vst v8;
	v8 =	vmin.f32 v9, $2.550000000e+02;
	v9 =	vmul.f32 $2.550000000e+02, v11;
	v12 =	vmax.f32 v12, $0.0e+00  }
0x74: {  	v1 =	vld.idx.msk [tilespmem:v1+s7+$0x0], $0xffff;
	v10 =	vmax.f32 v10, $0.0e+00;
	v7 =	vadd.f32 $5.000000000e-01, v7;
	v8 =	vadd.f32 $5.000000000e-01, v8  }
0x75: {  	[tilespmem:s20+$0x0] =	vst v3;
	v3 =	vld [tilespmem:s25+$0xFFFFFFB0];
	v12 =	vmin.f32 v12, $2.550000000e+02;
	v10 =	vmin.f32 v10, $2.550000000e+02;
	v11 =	vmul.f32 $2.550000000e+02, v13  }
0x76: {  	v12 =	vadd.f32 $5.000000000e-01, v12;
	v10 =	vadd.f32 $5.000000000e-01, v10;
	v4 =	vld.idx.msk [tilespmem:v4+s7+$0x0], $0xffff  }
0x77: {  	v13 =	vld [tilespmem:s22+$0x10];
	[tilespmem:s15+$0x20] =	vst v6;
	v6 =	vmax.f32 v9, $0.0e+00;
	v8 =	vtrunc.f32 v8;
	v11 =	vmax.f32 v11, $0.0e+00  }
0x78: {  	v0 =	vld.idx.msk [tilespmem:v0+s7+$0x0], $0xffff;
	v8 =	vcvt.f32.s32 v8;
	v9 =	vtrunc.f32 v10;
	v11 =	vmin.f32 v11, $2.550000000e+02  }
0x79: {  	s23 =	simm.s32 $0x4F80;
	v7 =	vtrunc.f32 v7;
	v10 =	vld [tilespmem:s21+$0x30];
	v9 =	vcvt.f32.s32 v9;
	v11 =	vadd.f32 $5.000000000e-01, v11  }
0x7a: {  	v14 =	vmul.f32 $2.550000000e+02, v14;
	v5 =	vld.idx.msk [tilespmem:v5+s7+$0x0], $0xffff;
	v7 =	vcvt.f32.s32 v7;
	v6 =	vmin.f32 v6, $2.550000000e+02;
	[tilespmem:s23+$0xFFFFFF80] =	vst v1  }
0x7b: {  	v2 =	vld.idx.msk [tilespmem:v2+s7+$0x0], $0xffff;
	v11 =	vtrunc.f32 v11;
	[tilespmem:s14+$0x30] =	vst v4;
	v4 =	vadd.f32 $5.000000000e-01, v6;
	v6 =	vtrunc.f32 v12  }
0x7c: {  	v1 =	vcvt.f32.s32 v11;
	v12 =	vmul.f32 $2.550000000e+02, v13;
	v13 =	vld [tilespmem:s24+$0xFFFFFF90]  }
0x7d: {  	v14 =	vmax.f32 v14, $0.0e+00;
	[tilespmem:s17+$0xFFFFFF90] =	vst v0;
	v0 =	vmul.f32 $2.550000000e+02, v17;
	v11 =	vld [tilespmem:s25+$0x40];
	v6 =	vcvt.f32.s32 v6  }
0x7e: {  	v14 =	vmin.f32 v14, $2.550000000e+02;
	v16 =	vmul.f32 $2.550000000e+02, v3;
	v10 =	vmul.f32 $2.550000000e+02, v10;
	v8 =	vld.idx.msk [tilespmem:v8+s7+$0x0], $0xffff  }
0x7f: {  	[tilespmem:s16+$0xFFFFFF90] =	vst v5;
	v0 =	vmax.f32 v0, $0.0e+00;
	v3 =	vtrunc.f32 v4;
	v5 =	vmax.f32 v12, $0.0e+00;
	v9 =	vld.idx.msk [tilespmem:v9+s7+$0x0], $0xffff  }
0x80: {  	v7 =	vld.idx.msk [tilespmem:v7+s7+$0x0], $0xffff;
	v4 =	vmax.f32 v10, $0.0e+00;
	v10 =	vmul.f32 $2.550000000e+02, v15;
	v5 =	vmin.f32 v5, $2.550000000e+02  }
0x81: {  	v12 =	vld [tilespmem:s18+$0xFFFFFFA0];
	v0 =	vmin.f32 v0, $2.550000000e+02;
	v4 =	vmin.f32 v4, $2.550000000e+02;
	v5 =	vadd.f32 $5.000000000e-01, v5  }
0x82: {  	v4 =	vadd.f32 $5.000000000e-01, v4;
	v10 =	vmax.f32 v10, $0.0e+00;
	v11 =	vmul.f32 $2.550000000e+02, v11;
	v1 =	vld.idx.msk [tilespmem:v1+s7+$0x0], $0xffff  }
0x83: {  	v13 =	vmul.f32 $2.550000000e+02, v13;
	v10 =	vmin.f32 v10, $2.550000000e+02;
	[tilespmem:s17+$0x10] =	vst v8;
	v8 =	vadd.f32 $5.000000000e-01, v14;
	v6 =	vld.idx.msk [tilespmem:v6+s7+$0x0], $0xffff  }
0x84: {  	v4 =	vtrunc.f32 v4;
	v10 =	vadd.f32 $5.000000000e-01, v10;
	v11 =	vmax.f32 v11, $0.0e+00;
	[tilespmem:s13+$0x40] =	vst v9;
	v9 =	vld [tilespmem:s19+$0x20]  }
0x85: {  	[tilespmem:s13+$0xFFFFFFB0] =	vst v2;
	v5 =	vtrunc.f32 v5;
	v4 =	vcvt.f32.s32 v4;
	v11 =	vmin.f32 v11, $2.550000000e+02;
	v14 =	vld [tilespmem:s30+$0x50]  }
0x86: {  	v2 =	vtrunc.f32 v8;
	v8 =	vld [tilespmem:s30+$0xFFFFFFC0];
	v10 =	vtrunc.f32 v10;
	v11 =	vadd.f32 $5.000000000e-01, v11  }
0x87: {  	v15 =	vmax.f32 v16, $0.0e+00;
	[tilespmem:s23+$0x0] =	vst v7;
	v12 =	vmul.f32 $2.550000000e+02, v12;
	v10 =	vcvt.f32.s32 v10  }
0x88: {  	v0 =	vadd.f32 $5.000000000e-01, v0;
	v5 =	vcvt.f32.s32 v5;
	[tilespmem:s15+$0xFFFFFFA0] =	vst v1;
	v7 =	vtrunc.f32 v11  }
0x89: {  	v16 =	vld [tilespmem:s29+$0x0];
	v15 =	vmin.f32 v15, $2.550000000e+02;
	v2 =	vcvt.f32.s32 v2;
	[tilespmem:s16+$0x20] =	vst v6;
	v1 =	vcvt.f32.s32 v7  }
0x8a: {  	v6 =	vmul.f32 $2.550000000e+02, v9;
	v9 =	vmax.f32 v12, $0.0e+00;
	v12 =	vmul.f32 $2.550000000e+02, v14;
	v14 =	vld [tilespmem:s18+$0x30]  }
0x8b: {  	v11 =	vmax.f32 v13, $0.0e+00;
	v8 =	vmul.f32 $2.550000000e+02, v8;
	v9 =	vmin.f32 v9, $2.550000000e+02;
	v4 =	vld.idx.msk [tilespmem:v4+s7+$0x0], $0xffff  }
0x8c: {  	v15 =	vadd.f32 $5.000000000e-01, v15;
	v13 =	vld [tilespmem:s21+$0xFFFFFFB0];
	v11 =	vmin.f32 v11, $2.550000000e+02;
	v9 =	vadd.f32 $5.000000000e-01, v9  }
0x8d: {  	v11 =	vadd.f32 $5.000000000e-01, v11;
	v6 =	vmax.f32 v6, $0.0e+00;
	v8 =	vmax.f32 v8, $0.0e+00;
	v10 =	vld.idx.msk [tilespmem:v10+s7+$0x0], $0xffff  }
0x8e: {  	v7 =	vld [tilespmem:s24+$0x10];
	v6 =	vmin.f32 v6, $2.550000000e+02;
	v8 =	vmin.f32 v8, $2.550000000e+02;
	v9 =	vtrunc.f32 v9  }
0x8f: {  	v5 =	vld.idx.msk [tilespmem:v5+s7+$0x0], $0xffff;
	v11 =	vtrunc.f32 v11;
	v6 =	vadd.f32 $5.000000000e-01, v6;
	v9 =	vcvt.f32.s32 v9  }
0x90: {  	v8 =	vadd.f32 $5.000000000e-01, v8;
	v14 =	vmul.f32 $2.550000000e+02, v14;
	[tilespmem:s15+$0x30] =	vst v4;
	v4 =	vtrunc.f32 v15;
	v18 =	vld.idx.msk [tilespmem:v1+s7+$0x0], $0xffff  }
0x91: {  	s28 =	simm.s32 $0x5080;
	v2 =	vld.idx.msk [tilespmem:v2+s7+$0x0], $0xffff;
	v12 =	vmax.f32 v12, $0.0e+00;
	v6 =	vtrunc.f32 v6;
	v4 =	vcvt.f32.s32 v4  }
0x92: {  	v12 =	vmin.f32 v12, $2.550000000e+02;
	v8 =	vtrunc.f32 v8;
	v6 =	vcvt.f32.s32 v6;
	[tilespmem:s28+$0xFFFFFF80] =	vst v10;
	v10 =	vld [tilespmem:s21+$0x40]  }
0x93: {  	v19 =	vmul.f32 $2.550000000e+02, v13;
	v8 =	vcvt.f32.s32 v8;
	v14 =	vmax.f32 v14, $0.0e+00;
	v15 =	vld [tilespmem:s26+$0xFFFFFF90]  }
0x94: {  	v13 =	vmul.f32 $2.550000000e+02, v16;
	v1 =	vcvt.f32.s32 v11;
	v11 =	vmin.f32 v14, $2.550000000e+02;
	v14 =	vld [tilespmem:s19+$0xFFFFFFA0]  }
0x95: {  	v3 =	vcvt.f32.s32 v3;
	v7 =	vmul.f32 $2.550000000e+02, v7;
	v12 =	vadd.f32 $5.000000000e-01, v12;
	v9 =	vld.idx.msk [tilespmem:v9+s7+$0x0], $0xffff;
	[tilespmem:s14+$0x40] =	vst v18  }
0x96: {  	v0 =	vtrunc.f32 v0;
	[tilespmem:s20+$0x10] =	vst v5;
	v13 =	vmax.f32 v13, $0.0e+00;
	v11 =	vadd.f32 $5.000000000e-01, v11;
	v5 =	vld [tilespmem:s25+$0x50]  }
0x97: {  	v7 =	vmax.f32 v7, $0.0e+00;
	v13 =	vmin.f32 v13, $2.550000000e+02;
	v12 =	vtrunc.f32 v12;
	v4 =	vld.idx.msk [tilespmem:v4+s7+$0x0], $0xffff  }
0x98: {  	v7 =	vmin.f32 v7, $2.550000000e+02;
	v11 =	vtrunc.f32 v11;
	v10 =	vmul.f32 $2.550000000e+02, v10;
	v6 =	vld.idx.msk [tilespmem:v6+s7+$0x0], $0xffff  }
0x99: {  	v7 =	vadd.f32 $5.000000000e-01, v7;
	v18 =	vcvt.f32.s32 v0;
	v17 =	vcvt.f32.s32 v11;
	v8 =	vld.idx.msk [tilespmem:v8+s7+$0x0], $0xffff  }
0x9a: {  	[tilespmem:s28+$0x0] =	vst v2;
	v11 =	vadd.f32 $5.000000000e-01, v13;
	v13 =	vmul.f32 $2.550000000e+02, v15;
	v15 =	vld [tilespmem:s22+$0x20];
	v10 =	vmax.f32 v10, $0.0e+00  }
0x9b: {  	v21 =	vld [tilespmem:s26+$0x10];
	v0 =	vcvt.f32.s32 v12;
	v14 =	vmul.f32 $2.550000000e+02, v14;
	v10 =	vmin.f32 v10, $2.550000000e+02  }
0x9c: {  	v11 =	vtrunc.f32 v11;
	[tilespmem:s16+$0xFFFFFFA0] =	vst v9;
	v9 =	vmax.f32 v13, $0.0e+00;
	v10 =	vadd.f32 $5.000000000e-01, v10  }
0x9d: {  	v13 =	vcvt.f32.s32 v11;
	v20 =	vld [tilespmem:s18+$0xFFFFFFB0];
	v9 =	vmin.f32 v9, $2.550000000e+02;
	v5 =	vmul.f32 $2.550000000e+02, v5;
	[tilespmem:s14+$0xFFFFFFB0] =	vst v4  }
0x9e: {  	v4 =	vtrunc.f32 v7;
	[tilespmem:s13+$0xFFFFFFC0] =	vst v8;
	v16 =	vadd.f32 $5.000000000e-01, v9;
	v2 =	vtrunc.f32 v10;
	v22 =	vld [tilespmem:s25+$0xFFFFFFC0]  }
0x9f: {  	[tilespmem:s17+$0x20] =	vst v6;
	v10 =	vmax.f32 v14, $0.0e+00;
	v7 =	vcvt.f32.s32 v4;
	v4 =	vmul.f32 $2.550000000e+02, v15;
	v12 =	vld [tilespmem:s30+$0xFFFFFFD0]  }
0xa0: {  	v11 =	vld [tilespmem:s19+$0x30];
	v5 =	vmax.f32 v5, $0.0e+00;
	v14 =	vmul.f32 $2.550000000e+02, v21;
	v6 =	vmin.f32 v10, $2.550000000e+02  }
0xa1: {  	v9 =	vld.idx.msk [tilespmem:v17+s7+$0x0], $0xffff;
	v2 =	vcvt.f32.s32 v2;
	v8 =	vmax.f32 v4, $0.0e+00;
	v10 =	vadd.f32 $5.000000000e-01, v6  }
0xa2: {  	v17 =	vld.idx.msk [tilespmem:v18+s7+$0x0], $0xffff;
	v4 =	vmin.f32 v5, $2.550000000e+02;
	v6 =	vmin.f32 v8, $2.550000000e+02;
	v5 =	vmul.f32 $2.550000000e+02, v20  }
0xa3: {  	s31 =	simm.s32 $0x10;
	s1 =	simm.s32 $0x980;
	s30 =	simm.s32 $0x5180;
	v8 =	vld.idx.msk [tilespmem:v3+s7+$0x0], $0xffff;
	v3 =	vmax.f32 v19, $0.0e+00;
	v15 =	vadd.f32 $5.000000000e-01, v6;
	v18 =	vmul.f32 $2.550000000e+02, v22  }
.LBB2_2:
0xa4: {  	v19 =	vld [tilespmem:s1+$0x0];
	s31 =	sadd.s32 $0x2, s31;
	v6 =	vtrunc.f32 v16;
	v16 =	vmin.f32 v3, $2.550000000e+02;
	v12 =	vmul.f32 $2.550000000e+02, v12;
	v3 =	vmovc v5;
	s0 =	smov.u32 s28;
	s28 =	smov.u32 s30  }
0xa5: {  	s2 =	smov.u32 s24;
	s24 =	smov.u32 s26;
	v5 =	vld [tilespmem:s1+$0xFFFFFF80];
	p0 =	slt.u32 s31, $0x8E;
	v6 =	vcvt.f32.s32 v6;
	v11 =	vmul.f32 $2.550000000e+02, v11;
	v16 =	vadd.f32 $5.000000000e-01, v16  }
0xa6: {  	s26 =	smov.u32 s29;
	s29 =	smov.u32 s1;
	v15 =	vtrunc.f32 v15;
	v18 =	vmax.f32 v18, $0.0e+00;
	v13 =	vld.idx.msk [tilespmem:v13+s7+$0x0], $0xffff;
	v12 =	vmax.f32 v12, $0.0e+00  }
0xa7: {  	v10 =	vtrunc.f32 v10;
	[tilespmem:s16+$0x30] =	vst v9;
	v9 =	vtrunc.f32 v16;
	v16 =	vmin.f32 v18, $2.550000000e+02;
	v0 =	vld.idx.msk [tilespmem:v0+s7+$0x0], $0xffff  }
0xa8: {  	v10 =	vcvt.f32.s32 v10;
	[tilespmem:s30+$0xFFFFFF80] =	vst v17;
	v17 =	vld [tilespmem:s18+$0x40];
	v9 =	vcvt.f32.s32 v9;
	v16 =	vadd.f32 $5.000000000e-01, v16  }
0xa9: {  	v15 =	vcvt.f32.s32 v15;
	v11 =	vmax.f32 v11, $0.0e+00;
	v12 =	vmin.f32 v12, $2.550000000e+02  }
0xaa: {  	v14 =	vmax.f32 v14, $0.0e+00;
	v12 =	vadd.f32 $5.000000000e-01, v12;
	v18 =	vld [tilespmem:s26+$0xFFFFFF90];
	v16 =	vtrunc.f32 v16  }
0xab: {  	v11 =	vmin.f32 v11, $2.550000000e+02;
	v5 =	vmul.f32 $2.550000000e+02, v5;
	v2 =	vld.idx.msk [tilespmem:v2+s7+$0x0], $0xffff;
	v16 =	vcvt.f32.s32 v16  }
0xac: {  	v19 =	vmul.f32 $2.550000000e+02, v19;
	v7 =	vld.idx.msk [tilespmem:v7+s7+$0x0], $0xffff;
	[tilespmem:s20+$0xFFFFFF90] =	vst v8;
	v8 =	vadd.f32 $5.000000000e-01, v11;
	v11 =	vtrunc.f32 v12  }
0xad: {  	v4 =	vadd.f32 $5.000000000e-01, v4;
	v12 =	vld [tilespmem:s22+$0xFFFFFFA0];
	v17 =	vmul.f32 $2.550000000e+02, v17;
	v11 =	vcvt.f32.s32 v11;
	[tilespmem:s13+$0x50] =	vst v0  }
0xae: {  	v0 =	vmax.f32 v5, $0.0e+00;
	v5 =	vmax.f32 v19, $0.0e+00;
	v10 =	vld.idx.msk [tilespmem:v10+s7+$0x0], $0xffff;
	v8 =	vtrunc.f32 v8  }
0xaf: {  	v0 =	vmin.f32 v0, $2.550000000e+02;
	v5 =	vmin.f32 v5, $2.550000000e+02;
	v8 =	vcvt.f32.s32 v8;
	v9 =	vld.idx.msk [tilespmem:v9+s7+$0x0], $0xffff  }
0xb0: {  	v14 =	vmin.f32 v14, $2.550000000e+02;
	v5 =	vadd.f32 $5.000000000e-01, v5;
	v17 =	vmax.f32 v17, $0.0e+00;
	v15 =	vld.idx.msk [tilespmem:v15+s7+$0x0], $0xffff  }
0xb1: {  	v0 =	vadd.f32 $5.000000000e-01, v0;
	v18 =	vmul.f32 $2.550000000e+02, v18;
	v17 =	vmin.f32 v17, $2.550000000e+02;
	[tilespmem:s15+$0x40] =	vst v2;
	v16 =	vld.idx.msk [tilespmem:v16+s7+$0x0], $0xffff  }
0xb2: {  	v14 =	vadd.f32 $5.000000000e-01, v14;
	[tilespmem:s23+$0x10] =	vst v7;
	v2 =	vmul.f32 $2.550000000e+02, v12;
	v7 =	vadd.f32 $5.000000000e-01, v17;
	v12 =	vld [tilespmem:s21+$0x50]  }
0xb3: {  	v4 =	vtrunc.f32 v4;
	v0 =	vtrunc.f32 v0;
	v17 =	vmax.f32 v18, $0.0e+00;
	[tilespmem:s30+$0x0] =	vst v13;
	v13 =	vld [tilespmem:s2+$0x20]  }
0xb4: {  	v5 =	vtrunc.f32 v5;
	v17 =	vmin.f32 v17, $2.550000000e+02;
	[tilespmem:s17+$0xFFFFFFA0] =	vst v10;
	v7 =	vtrunc.f32 v7;
	v18 =	vld.idx.msk [tilespmem:v11+s7+$0x0], $0xffff  }
0xb5: {  	v19 =	vcvt.f32.s32 v0;
	v10 =	vmax.f32 v2, $0.0e+00;
	v20 =	vld [tilespmem:s19+$0xFFFFFFB0];
	v2 =	vcvt.f32.s32 v7;
	[tilespmem:s15+$0xFFFFFFB0] =	vst v9  }
0xb6: {  	v0 =	vcvt.f32.s32 v4;
	v7 =	vtrunc.f32 v14;
	v21 =	vld [tilespmem:s26+$0x10];
	[tilespmem:s20+$0x20] =	vst v15  }
0xb7: {  	v7 =	vcvt.f32.s32 v7;
	v22 =	vld [tilespmem:s21+$0xFFFFFFC0];
	v4 =	vmul.f32 $2.550000000e+02, v12;
	[tilespmem:s14+$0xFFFFFFC0] =	vst v16  }
.Ltmp0:
0xb8: {  	v10 =	vmin.f32 v10, $2.550000000e+02;
	v9 =	vmul.f32 $2.550000000e+02, v13;
	v12 =	vld [tilespmem:s25+$0xFFFFFFD0];
	s25 =	smov.u32 s21;
	s21 =	smov.u32 s18;
	(pc) =	sbr.rel @p0 .LBB2_2-.Ltmp0, $4  }
0xb9: {  	v16 =	vadd.f32 $5.000000000e-01, v17;
	v13 =	vcvt.f32.s32 v5;
	s18 =	smov.u32 s19;
	s19 =	smov.u32 s22;
	v11 =	vld [tilespmem:s22+$0x30];
	v4 =	vmax.f32 v4, $0.0e+00;
	s22 =	smov.u32 s2  }
0xba: {  	v10 =	vadd.f32 $5.000000000e-01, v10;
	v5 =	vmax.f32 v9, $0.0e+00;
	v9 =	vld.idx.msk [tilespmem:v8+s7+$0x0], $0xffff;
	v4 =	vmin.f32 v4, $2.550000000e+02;
	[tilespmem:s13+$0xFFFFFFD0] =	vst v18;
	s13 =	smov.u32 s14;
	s14 =	smov.u32 s15;
	s15 =	smov.u32 s16  }
0xbb: {  	s30 =	sadd.s32 $0x100, s30;
	s16 =	smov.u32 s17;
	s17 =	smov.u32 s20;
	v17 =	vld.idx.msk [tilespmem:v19+s7+$0x0], $0xffff;
	v14 =	vmul.f32 $2.550000000e+02, v21;
	v15 =	vmin.f32 v5, $2.550000000e+02;
	v5 =	vmul.f32 $2.550000000e+02, v20  }
0xbc: {  	s1 =	sadd.s32 $0x100, s1;
	v3 =	vmax.f32 v3, $0.0e+00;
	s20 =	smov.u32 s23;
	s23 =	smov.u32 s0;
	v8 =	vld.idx.msk [tilespmem:v1+s7+$0x0], $0xffff;
	v15 =	vadd.f32 $5.000000000e-01, v15;
	v18 =	vmul.f32 $2.550000000e+02, v22;
	v1 =	vmovc v6  }
0xbd: {  	_ =	sdelay $0x3  }
0xbe: {  	v6 =	vld.idx.msk [tilespmem:v13+s7+$0x0], $0xffff;
	_ =	sdelay $0x3  }
0xbf: {  	v28 =	vmax.f32 v14, $0.0e+00  }
0xc0: {  	v29 =	vmin.f32 v28, $2.550000000e+02;
	[tilespmem:s30+$0x0] =	vst v6  }
0xc1: {  	[tilespmem:s30+$0xFFFFFF80] =	vst v17;
	v6 =	vadd.f32 $5.000000000e-01, v29;
	v30 =	vld [tilespmem:s29+$0x10]  }
0xc2: {  	v31 =	vld [tilespmem:s29+$0xFFFFFF90]  }
0xc3: {  	v16 =	vtrunc.f32 v16;
	v7 =	vld.idx.msk [tilespmem:v7+s7+$0x0], $0xffff;
	v6 =	vtrunc.f32 v6  }
0xc4: {  	v12 =	vmul.f32 $2.550000000e+02, v12;
	v3 =	vmin.f32 v3, $2.550000000e+02;
	v6 =	vcvt.f32.s32 v6  }
0xc5: {  	v10 =	vtrunc.f32 v10;
	v4 =	vadd.f32 $5.000000000e-01, v4;
	v16 =	vcvt.f32.s32 v16;
	[tilespmem:s20+$0xFFFFFF90] =	vst v8  }
0xc6: {  	v11 =	vmul.f32 $2.550000000e+02, v11;
	v3 =	vadd.f32 $5.000000000e-01, v3;
	v40 =	vld [tilespmem:s22+$0xFFFFFFA0];
	v13 =	vmul.f32 $2.550000000e+02, v30  }
0xc7: {  	v1 =	vld.idx.msk [tilespmem:v1+s7+$0x0], $0xffff;
	v32 =	vmax.f32 v18, $0.0e+00;
	v10 =	vcvt.f32.s32 v10;
	v33 =	vmul.f32 $2.550000000e+02, v31  }
0xc8: {  	v2 =	vld.idx.msk [tilespmem:v2+s7+$0x0], $0xffff;
	v15 =	vtrunc.f32 v15;
	v34 =	vmin.f32 v32, $2.550000000e+02;
	[tilespmem:s23+$0x10] =	vst v7;
	v13 =	vmax.f32 v13, $0.0e+00  }
0xc9: {  	[tilespmem:s16+$0x30] =	vst v9;
	v14 =	vadd.f32 $5.000000000e-01, v34;
	v39 =	vld [tilespmem:s24+$0x20];
	v9 =	vmax.f32 v33, $0.0e+00;
	v13 =	vmin.f32 v13, $2.550000000e+02  }
0xca: {  	v3 =	vtrunc.f32 v3;
	v9 =	vmin.f32 v9, $2.550000000e+02;
	v6 =	vld.idx.msk [tilespmem:v6+s7+$0x0], $0xffff;
	v13 =	vadd.f32 $5.000000000e-01, v13  }
0xcb: {  	v38 =	vtrunc.f32 v14;
	v14 =	vmul.f32 $2.550000000e+02, v40;
	v36 =	vadd.f32 $5.000000000e-01, v9  }
0xcc: {  	v5 =	vmax.f32 v5, $0.0e+00;
	v35 =	vld [tilespmem:s18+$0x40];
	v3 =	vcvt.f32.s32 v3;
	[tilespmem:s23+$0xFFFFFF90] =	vst v1;
	v13 =	vtrunc.f32 v13  }
0xcd: {  	[tilespmem:s15+$0x40] =	vst v2;
	v43 =	vld [tilespmem:s24+$0xFFFFFFA0];
	v46 =	vmax.f32 v14, $0.0e+00;
	v7 =	vtrunc.f32 v36;
	v13 =	vcvt.f32.s32 v13  }
0xce: {  	v5 =	vmin.f32 v5, $2.550000000e+02;
	v48 =	vld [tilespmem:s21+$0x50];
	v2 =	vmin.f32 v46, $2.550000000e+02;
	v7 =	vcvt.f32.s32 v7  }
0xcf: {  	v12 =	vmax.f32 v12, $0.0e+00;
	v16 =	vld.idx.msk [tilespmem:v16+s7+$0x0], $0xffff;
	v8 =	vmul.f32 $2.550000000e+02, v39;
	v2 =	vadd.f32 $5.000000000e-01, v2;
	[tilespmem:s28+$0x10] =	vst v6  }
0xd0: {  	v15 =	vcvt.f32.s32 v15;
	v5 =	vadd.f32 $5.000000000e-01, v5;
	v37 =	vmax.f32 v11, $0.0e+00;
	v45 =	vld [tilespmem:s26+$0x20]  }
0xd1: {  	v12 =	vmin.f32 v12, $2.550000000e+02;
	v10 =	vld.idx.msk [tilespmem:v10+s7+$0x0], $0xffff;
	v8 =	vmax.f32 v8, $0.0e+00;
	v51 =	vtrunc.f32 v2  }
0xd2: {  	v5 =	vtrunc.f32 v5;
	v3 =	vld.idx.msk [tilespmem:v3+s7+$0x0], $0xffff;
	v8 =	vmin.f32 v8, $2.550000000e+02;
	v53 =	vcvt.f32.s32 v51  }
0xd3: {  	v47 =	vmul.f32 $2.550000000e+02, v43;
	v9 =	vmin.f32 v37, $2.550000000e+02;
	v8 =	vadd.f32 $5.000000000e-01, v8;
	v13 =	vld.idx.msk [tilespmem:v13+s7+$0x0], $0xffff  }
0xd4: {  	v12 =	vadd.f32 $5.000000000e-01, v12;
	v5 =	vcvt.f32.s32 v5;
	[tilespmem:s28+$0xFFFFFF90] =	vst v16;
	v9 =	vadd.f32 $5.000000000e-01, v9;
	v7 =	vld.idx.msk [tilespmem:v7+s7+$0x0], $0xffff  }
0xd5: {  	v14 =	vmax.f32 v47, $0.0e+00;
	v16 =	vld [tilespmem:s26+$0xFFFFFFA0];
	v8 =	vtrunc.f32 v8;
	v49 =	vmul.f32 $2.550000000e+02, v45  }
0xd6: {  	v15 =	vld.idx.msk [tilespmem:v15+s7+$0x0], $0xffff;
	[tilespmem:s17+$0xFFFFFFA0] =	vst v10;
	v14 =	vmin.f32 v14, $2.550000000e+02;
	v9 =	vtrunc.f32 v9;
	v8 =	vcvt.f32.s32 v8  }
0xd7: {  	v50 =	vld [tilespmem:s19+$0xFFFFFFB0];
	v14 =	vadd.f32 $5.000000000e-01, v14;
	[tilespmem:s15+$0xFFFFFFB0] =	vst v3;
	v9 =	vcvt.f32.s32 v9;
	v10 =	vmax.f32 v49, $0.0e+00  }
0xd8: {  	v4 =	vtrunc.f32 v4;
	v11 =	vcvt.f32.s32 v38;
	v3 =	vld.idx.msk [tilespmem:v53+s7+$0x0], $0xffff;
	v10 =	vmin.f32 v10, $2.550000000e+02;
	[tilespmem:s30+$0x10] =	vst v13  }
0xd9: {  	v41 =	vtrunc.f32 v12;
	v14 =	vtrunc.f32 v14;
	[tilespmem:s30+$0xFFFFFF90] =	vst v7;
	v54 =	vadd.f32 $5.000000000e-01, v10;
	v52 =	vld [tilespmem:s29+$0x20]  }
0xda: {  	v14 =	vcvt.f32.s32 v14;
	v16 =	vmul.f32 $2.550000000e+02, v16;
	v7 =	vld [tilespmem:s29+$0xFFFFFFA0]  }
0xdb: {  	v5 =	vld.idx.msk [tilespmem:v5+s7+$0x0], $0xffff;
	v2 =	vcvt.f32.s32 v4;
	v4 =	vtrunc.f32 v54  }
0xdc: {  	v12 =	vmul.f32 $2.550000000e+02, v50;
	v16 =	vmax.f32 v16, $0.0e+00;
	v8 =	vld.idx.msk [tilespmem:v8+s7+$0x0], $0xffff;
	v4 =	vcvt.f32.s32 v4  }
0xdd: {  	v1 =	vcvt.f32.s32 v41;
	v17 =	vmul.f32 $2.550000000e+02, v35;
	v16 =	vmin.f32 v16, $2.550000000e+02;
	v9 =	vld.idx.msk [tilespmem:v9+s7+$0x0], $0xffff;
	[tilespmem:s20+$0xFFFFFFA0] =	vst v3  }
0xde: {  	[tilespmem:s20+$0x20] =	vst v15;
	v12 =	vmax.f32 v12, $0.0e+00;
	v16 =	vadd.f32 $5.000000000e-01, v16;
	v63 =	vld [tilespmem:s22+$0xFFFFFFB0];
	v57 =	vmul.f32 $2.550000000e+02, v52  }
0xdf: {  	v42 =	vmax.f32 v17, $0.0e+00;
	v15 =	vld [tilespmem:s22+$0x30];
	v12 =	vmin.f32 v12, $2.550000000e+02;
	v7 =	vmul.f32 $2.550000000e+02, v7  }
0xe0: {  	v12 =	vadd.f32 $5.000000000e-01, v12;
	v14 =	vld.idx.msk [tilespmem:v14+s7+$0x0], $0xffff;
	v58 =	vtrunc.f32 v16;
	v17 =	vmax.f32 v57, $0.0e+00  }
0xe1: {  	v55 =	vld [tilespmem:s21+$0xFFFFFFC0];
	[tilespmem:s23+$0x20] =	vst v8;
	v8 =	vcvt.f32.s32 v58;
	v7 =	vmax.f32 v7, $0.0e+00;
	v17 =	vmin.f32 v17, $2.550000000e+02  }
0xe2: {  	v12 =	vtrunc.f32 v12;
	v7 =	vmin.f32 v7, $2.550000000e+02;
	v4 =	vld.idx.msk [tilespmem:v4+s7+$0x0], $0xffff;
	v17 =	vadd.f32 $5.000000000e-01, v17  }
0xe3: {  	v11 =	vld.idx.msk [tilespmem:v11+s7+$0x0], $0xffff;
	v12 =	vcvt.f32.s32 v12;
	[tilespmem:s17+$0x30] =	vst v9;
	v9 =	vmul.f32 $2.550000000e+02, v63;
	v7 =	vadd.f32 $5.000000000e-01, v7  }
0xe4: {  	v44 =	vmin.f32 v42, $2.550000000e+02;
	v15 =	vmul.f32 $2.550000000e+02, v15;
	v59 =	vld [tilespmem:s24+$0x30];
	v60 =	vtrunc.f32 v17  }
0xe5: {  	v20 =	vld [tilespmem:s19+$0x40];
	[tilespmem:s23+$0xFFFFFFA0] =	vst v14;
	v9 =	vmax.f32 v9, $0.0e+00;
	v7 =	vtrunc.f32 v7;
	v62 =	vcvt.f32.s32 v60  }
0xe6: {  	v6 =	vadd.f32 $5.000000000e-01, v44;
	v22 =	vld [tilespmem:s24+$0xFFFFFFB0];
	v9 =	vmin.f32 v9, $2.550000000e+02;
	v7 =	vcvt.f32.s32 v7  }
0xe7: {  	v21 =	vmax.f32 v15, $0.0e+00;
	v10 =	vmul.f32 $2.550000000e+02, v55;
	v8 =	vld.idx.msk [tilespmem:v8+s7+$0x0], $0xffff;
	v9 =	vadd.f32 $5.000000000e-01, v9;
	[tilespmem:s28+$0x20] =	vst v4  }
0xe8: {  	v56 =	vmul.f32 $2.550000000e+02, v48;
	[tilespmem:s16+$0xFFFFFFB0] =	vst v5;
	v6 =	vtrunc.f32 v6;
	v23 =	vmin.f32 v21, $2.550000000e+02;
	v24 =	vld [tilespmem:s26+$0x30]  }
0xe9: {  	[tilespmem:s14+$0xFFFFFFC0] =	vst v11;
	v10 =	vmax.f32 v10, $0.0e+00;
	v12 =	vld.idx.msk [tilespmem:v12+s7+$0x0], $0xffff;
	v11 =	vmul.f32 $2.550000000e+02, v59;
	v9 =	vtrunc.f32 v9  }
0xea: {  	v32 =	vld [tilespmem:s18+$0xFFFFFFC0];
	v10 =	vmin.f32 v10, $2.550000000e+02;
	v9 =	vcvt.f32.s32 v9;
	v4 =	vadd.f32 $5.000000000e-01, v23  }
0xeb: {  	v6 =	vcvt.f32.s32 v6;
	v10 =	vadd.f32 $5.000000000e-01, v10;
	v11 =	vmax.f32 v11, $0.0e+00;
	v3 =	vld.idx.msk [tilespmem:v62+s7+$0x0], $0xffff  }
0xec: {  	v25 =	vmul.f32 $2.550000000e+02, v20;
	v11 =	vmin.f32 v11, $2.550000000e+02;
	v4 =	vtrunc.f32 v4;
	v7 =	vld.idx.msk [tilespmem:v7+s7+$0x0], $0xffff  }
0xed: {  	v61 =	vld [tilespmem:s25+$0xFFFFFFD0];
	v11 =	vadd.f32 $5.000000000e-01, v11;
	[tilespmem:s28+$0xFFFFFFA0] =	vst v8;
	v4 =	vcvt.f32.s32 v4;
	v14 =	vmul.f32 $2.550000000e+02, v24  }
0xee: {  	v10 =	vtrunc.f32 v10;
	v15 =	vmul.f32 $2.550000000e+02, v22;
	[tilespmem:s17+$0xFFFFFFB0] =	vst v12;
	v26 =	vld [tilespmem:s26+$0xFFFFFFB0]  }
0xef: {  	v10 =	vcvt.f32.s32 v10;
	v35 =	vld [tilespmem:s19+$0xFFFFFFC0];
	v11 =	vtrunc.f32 v11;
	v14 =	vmax.f32 v14, $0.0e+00  }
0xf0: {  	v27 =	vmax.f32 v15, $0.0e+00;
	v11 =	vcvt.f32.s32 v11;
	v9 =	vld.idx.msk [tilespmem:v9+s7+$0x0], $0xffff;
	v31 =	vmin.f32 v14, $2.550000000e+02;
	[tilespmem:s30+$0x20] =	vst v3  }
0xf1: {  	v8 =	vmax.f32 v25, $0.0e+00;
	[tilespmem:s30+$0xFFFFFFA0] =	vst v7;
	v3 =	vmin.f32 v27, $2.550000000e+02;
	v5 =	vadd.f32 $5.000000000e-01, v31;
	v28 =	vld [tilespmem:s29+$0x30]  }
0xf2: {  	v17 =	vmul.f32 $2.550000000e+02, v61;
	v8 =	vmin.f32 v8, $2.550000000e+02;
	v30 =	vld [tilespmem:s29+$0xFFFFFFB0];
	v3 =	vadd.f32 $5.000000000e-01, v3  }
0xf3: {  	v8 =	vadd.f32 $5.000000000e-01, v8;
	v16 =	vmul.f32 $2.550000000e+02, v26;
	v4 =	vld.idx.msk [tilespmem:v4+s7+$0x0], $0xffff;
	v5 =	vtrunc.f32 v5  }
0xf4: {  	v13 =	vmax.f32 v56, $0.0e+00;
	v3 =	vtrunc.f32 v3;
	v5 =	vcvt.f32.s32 v5  }
0xf5: {  	v29 =	vmax.f32 v17, $0.0e+00;
	v8 =	vtrunc.f32 v8;
	v3 =	vcvt.f32.s32 v3  }
0xf6: {  	v11 =	vld.idx.msk [tilespmem:v11+s7+$0x0], $0xffff;
	v16 =	vmax.f32 v16, $0.0e+00;
	v14 =	vmul.f32 $2.550000000e+02, v32;
	v15 =	vmul.f32 $2.550000000e+02, v28  }
0xf7: {  	v10 =	vld.idx.msk [tilespmem:v10+s7+$0x0], $0xffff;
	v47 =	vcvt.f32.s32 v8;
	v34 =	vmin.f32 v16, $2.550000000e+02;
	[tilespmem:s20+$0xFFFFFFB0] =	vst v9;
	v17 =	vmul.f32 $2.550000000e+02, v30  }
0xf8: {  	v6 =	vld.idx.msk [tilespmem:v6+s7+$0x0], $0xffff;
	v14 =	vmax.f32 v14, $0.0e+00;
	[tilespmem:s20+$0x30] =	vst v4;
	v4 =	vmul.f32 $2.550000000e+02, v35;
	v33 =	vmax.f32 v15, $0.0e+00  }
0xf9: {  	v46 =	vld [tilespmem:s22+$0xFFFFFFC0];
	v36 =	vmax.f32 v17, $0.0e+00;
	v15 =	vadd.f32 $5.000000000e-01, v34;
	v12 =	vmin.f32 v33, $2.550000000e+02  }
0xfa: {  	v42 =	vmin.f32 v14, $2.550000000e+02;
	v16 =	vmin.f32 v36, $2.550000000e+02;
	v5 =	vld.idx.msk [tilespmem:v5+s7+$0x0], $0xffff;
	v12 =	vadd.f32 $5.000000000e-01, v12  }
0xfb: {  	[tilespmem:s23+$0x30] =	vst v11;
	v4 =	vmax.f32 v4, $0.0e+00;
	v39 =	vadd.f32 $5.000000000e-01, v16;
	v3 =	vld.idx.msk [tilespmem:v3+s7+$0x0], $0xffff;
	v38 =	vtrunc.f32 v15  }
0xfc: {  	[tilespmem:s15+$0xFFFFFFC0] =	vst v10;
	v43 =	vld [tilespmem:s24+$0x40];
	v4 =	vmin.f32 v4, $2.550000000e+02;
	v10 =	vcvt.f32.s32 v38;
	v41 =	vtrunc.f32 v12  }
0xfd: {  	[tilespmem:s16+$0x40] =	vst v6;
	v37 =	vld [tilespmem:s22+$0x40];
	v4 =	vadd.f32 $5.000000000e-01, v4;
	v45 =	vtrunc.f32 v39;
	v44 =	vcvt.f32.s32 v41  }
0xfe: {  	v48 =	vld [tilespmem:s18+$0x50];
	v7 =	vmin.f32 v29, $2.550000000e+02;
	v11 =	vcvt.f32.s32 v45;
	v12 =	vadd.f32 $5.000000000e-01, v42  }
0xff: {  	v6 =	vld.idx.msk [tilespmem:v47+s7+$0x0], $0xffff;
	v7 =	vadd.f32 $5.000000000e-01, v7;
	v4 =	vtrunc.f32 v4;
	v15 =	vmul.f32 $2.550000000e+02, v46;
	[tilespmem:s28+$0x30] =	vst v5  }
0x100: {  	v13 =	vmin.f32 v13, $2.550000000e+02;
	v4 =	vcvt.f32.s32 v4;
	v12 =	vtrunc.f32 v12;
	[tilespmem:s23+$0xFFFFFFB0] =	vst v3;
	v54 =	vld [tilespmem:s26+$0x40]  }
0x101: {  	v13 =	vadd.f32 $5.000000000e-01, v13;
	v7 =	vtrunc.f32 v7;
	v50 =	vcvt.f32.s32 v12;
	v51 =	vld [tilespmem:s24+$0xFFFFFFC0]  }
0x102: {  	v14 =	vmul.f32 $2.550000000e+02, v43;
	v17 =	vmul.f32 $2.550000000e+02, v37;
	v15 =	vmax.f32 v15, $0.0e+00;
	v10 =	vld.idx.msk [tilespmem:v10+s7+$0x0], $0xffff  }
0x103: {  	v8 =	vmul.f32 $2.550000000e+02, v48;
	v49 =	vcvt.f32.s32 v7;
	v15 =	vmin.f32 v15, $2.550000000e+02;
	v9 =	vld.idx.msk [tilespmem:v44+s7+$0x0], $0xffff  }
0x104: {  	v14 =	vmax.f32 v14, $0.0e+00;
	v17 =	vmax.f32 v17, $0.0e+00;
	v56 =	vadd.f32 $5.000000000e-01, v15;
	v52 =	vld.idx.msk [tilespmem:v11+s7+$0x0], $0xffff  }
0x105: {  	v14 =	vmin.f32 v14, $2.550000000e+02;
	v17 =	vmin.f32 v17, $2.550000000e+02;
	v60 =	vmul.f32 $2.550000000e+02, v54  }
0x106: {  	[tilespmem:s17+$0x40] =	vst v6;
	v53 =	vadd.f32 $5.000000000e-01, v17;
	v59 =	vtrunc.f32 v56;
	v4 =	vld.idx.msk [tilespmem:v4+s7+$0x0], $0xffff;
	v12 =	vmul.f32 $2.550000000e+02, v51  }
0x107: {  	v14 =	vadd.f32 $5.000000000e-01, v14;
	v5 =	vcvt.f32.s32 v59;
	v7 =	vld.idx.msk [tilespmem:v50+s7+$0x0], $0xffff;
	[tilespmem:s28+$0xFFFFFFB0] =	vst v10;
	v62 =	vmax.f32 v60, $0.0e+00  }
0x108: {  	v11 =	vtrunc.f32 v53;
	v12 =	vmax.f32 v12, $0.0e+00;
	v57 =	vld [tilespmem:s26+$0xFFFFFFC0];
	v6 =	vmin.f32 v62, $2.550000000e+02;
	[tilespmem:s30+$0x30] =	vst v9  }
0x109: {  	v11 =	vcvt.f32.s32 v11;
	[tilespmem:s30+$0xFFFFFFB0] =	vst v52;
	v12 =	vmin.f32 v12, $2.550000000e+02;
	v6 =	vadd.f32 $5.000000000e-01, v6;
	v58 =	vld [tilespmem:s29+$0x40]  }
0x10a: {  	v13 =	vtrunc.f32 v13;
	v55 =	vtrunc.f32 v14;
	v61 =	vld [tilespmem:s29+$0xFFFFFFC0];
	v12 =	vadd.f32 $5.000000000e-01, v12  }
0x10b: {  	v8 =	vmax.f32 v8, $0.0e+00;
	v40 =	vld [tilespmem:s21+$0xFFFFFFD0];
	v10 =	vcvt.f32.s32 v55;
	v6 =	vtrunc.f32 v6  }
0x10c: {  	v8 =	vmin.f32 v8, $2.550000000e+02;
	v63 =	vld [tilespmem:s19+$0x50];
	v12 =	vtrunc.f32 v12;
	v6 =	vcvt.f32.s32 v6  }
0x10d: {  	v8 =	vadd.f32 $5.000000000e-01, v8;
	[tilespmem:s17+$0xFFFFFFC0] =	vst v4;
	v22 =	vld.idx.msk [tilespmem:v5+s7+$0x0], $0xffff;
	v20 =	vcvt.f32.s32 v12;
	v9 =	vmul.f32 $2.550000000e+02, v57  }
0x10e: {  	v13 =	vcvt.f32.s32 v13;
	v25 =	vld [tilespmem:s19+$0xFFFFFFD0];
	v15 =	vmul.f32 $2.550000000e+02, v58  }
0x10f: {  	v31 =	vtrunc.f32 v8;
	v11 =	vld.idx.msk [tilespmem:v11+s7+$0x0], $0xffff;
	[tilespmem:s16+$0xFFFFFFC0] =	vst v7;
	v17 =	vmul.f32 $2.550000000e+02, v61;
	v9 =	vmax.f32 v9, $0.0e+00  }
0x110: {  	v16 =	vmul.f32 $2.550000000e+02, v40;
	v21 =	vld [tilespmem:s18+$0xFFFFFFD0];
	v9 =	vmin.f32 v9, $2.550000000e+02;
	v15 =	vmax.f32 v15, $0.0e+00  }
0x111: {  	v10 =	vld.idx.msk [tilespmem:v10+s7+$0x0], $0xffff;
	v24 =	vmax.f32 v17, $0.0e+00;
	v9 =	vadd.f32 $5.000000000e-01, v9;
	v23 =	vmin.f32 v15, $2.550000000e+02  }
0x112: {  	v16 =	vmax.f32 v16, $0.0e+00;
	v15 =	vmin.f32 v24, $2.550000000e+02;
	v6 =	vld.idx.msk [tilespmem:v6+s7+$0x0], $0xffff;
	v5 =	vadd.f32 $5.000000000e-01, v23  }
0x113: {  	v14 =	vmul.f32 $2.550000000e+02, v63;
	v7 =	vld.idx.msk [tilespmem:v20+s7+$0x0], $0xffff;
	v9 =	vtrunc.f32 v9;
	v15 =	vadd.f32 $5.000000000e-01, v15  }
0x114: {  	v16 =	vmin.f32 v16, $2.550000000e+02;
	[tilespmem:s20+$0x40] =	vst v11;
	v9 =	vcvt.f32.s32 v9;
	v5 =	vtrunc.f32 v5  }
0x115: {  	v16 =	vadd.f32 $5.000000000e-01, v16;
	[tilespmem:s20+$0xFFFFFFC0] =	vst v22;
	v11 =	vld [tilespmem:s22+$0x50];
	v26 =	vtrunc.f32 v15;
	v5 =	vcvt.f32.s32 v5  }
0x116: {  	v30 =	vld [tilespmem:s22+$0xFFFFFFD0];
	v17 =	vmul.f32 $2.550000000e+02, v25;
	[tilespmem:s23+$0x40] =	vst v10;
	v28 =	vcvt.f32.s32 v26  }
0x117: {  	v16 =	vtrunc.f32 v16;
	v14 =	vmax.f32 v14, $0.0e+00;
	v12 =	vmul.f32 $2.550000000e+02, v21;
	v27 =	vld [tilespmem:s24+$0x50];
	[tilespmem:s28+$0x40] =	vst v6  }
0x118: {  	v29 =	vcvt.f32.s32 v16;
	v32 =	vmin.f32 v14, $2.550000000e+02;
	v17 =	vmax.f32 v17, $0.0e+00;
	[tilespmem:s23+$0xFFFFFFC0] =	vst v7;
	v36 =	vld [tilespmem:s26+$0x50]  }
0x119: {  	v8 =	vadd.f32 $5.000000000e-01, v32;
	v17 =	vmin.f32 v17, $2.550000000e+02;
	v12 =	vmax.f32 v12, $0.0e+00;
	v33 =	vld [tilespmem:s24+$0xFFFFFFD0]  }
0x11a: {  	v17 =	vadd.f32 $5.000000000e-01, v17;
	v12 =	vmin.f32 v12, $2.550000000e+02;
	v11 =	vmul.f32 $2.550000000e+02, v11;
	v9 =	vld.idx.msk [tilespmem:v9+s7+$0x0], $0xffff  }
0x11b: {  	v8 =	vtrunc.f32 v8;
	v16 =	vmul.f32 $2.550000000e+02, v30;
	v12 =	vadd.f32 $5.000000000e-01, v12;
	v5 =	vld.idx.msk [tilespmem:v5+s7+$0x0], $0xffff  }
0x11c: {  	v8 =	vcvt.f32.s32 v8;
	v35 =	vtrunc.f32 v17;
	v11 =	vmax.f32 v11, $0.0e+00;
	v4 =	vld.idx.msk [tilespmem:v28+s7+$0x0], $0xffff  }
0x11d: {  	v16 =	vmax.f32 v16, $0.0e+00;
	v12 =	vtrunc.f32 v12;
	v34 =	vmin.f32 v11, $2.550000000e+02  }
0x11e: {  	v11 =	vcvt.f32.s32 v35;
	v15 =	vmul.f32 $2.550000000e+02, v27;
	v6 =	vadd.f32 $5.000000000e-01, v34  }
0x11f: {  	v0 =	vld.idx.msk [tilespmem:v0+s7+$0x0], $0xffff;
	v38 =	vmin.f32 v16, $2.550000000e+02;
	v7 =	vcvt.f32.s32 v31;
	v12 =	vcvt.f32.s32 v12;
	[tilespmem:s28+$0xFFFFFFC0] =	vst v9  }
0x120: {  	v37 =	vmax.f32 v15, $0.0e+00;
	v6 =	vtrunc.f32 v6;
	v15 =	vadd.f32 $5.000000000e-01, v38;
	v39 =	vld [tilespmem:s26+$0xFFFFFFD0];
	[tilespmem:s30+$0x40] =	vst v5  }
0x121: {  	v17 =	vmul.f32 $2.550000000e+02, v36;
	v14 =	vmul.f32 $2.550000000e+02, v33;
	[tilespmem:s30+$0xFFFFFFC0] =	vst v4;
	v40 =	vld [tilespmem:s29+$0x50]  }
0x122: {  	v41 =	vcvt.f32.s32 v6;
	v15 =	vtrunc.f32 v15;
	v9 =	vmin.f32 v37, $2.550000000e+02;
	v44 =	vld [tilespmem:s29+$0xFFFFFFD0]  }
0x123: {  	v1 =	vld.idx.msk [tilespmem:v1+s7+$0x0], $0xffff;
	v17 =	vmax.f32 v17, $0.0e+00;
	v42 =	vadd.f32 $5.000000000e-01, v9;
	v43 =	vmax.f32 v14, $0.0e+00  }
0x124: {  	v2 =	vld.idx.msk [tilespmem:v2+s7+$0x0], $0xffff;
	v15 =	vcvt.f32.s32 v15;
	v17 =	vmin.f32 v17, $2.550000000e+02;
	v9 =	vmin.f32 v43, $2.550000000e+02  }
0x125: {  	v13 =	vld.idx.msk [tilespmem:v13+s7+$0x0], $0xffff;
	v17 =	vadd.f32 $5.000000000e-01, v17;
	v6 =	vtrunc.f32 v42;
	v5 =	vmul.f32 $2.550000000e+02, v39  }
0x126: {  	v3 =	vld.idx.msk [tilespmem:v49+s7+$0x0], $0xffff;
	v9 =	vadd.f32 $5.000000000e-01, v9;
	v6 =	vcvt.f32.s32 v6;
	v16 =	vmul.f32 $2.550000000e+02, v40  }
0x127: {  	v45 =	vld.idx.msk [tilespmem:v29+s7+$0x0], $0xffff;
	v51 =	vtrunc.f32 v17;
	v5 =	vmax.f32 v5, $0.0e+00;
	v14 =	vmul.f32 $2.550000000e+02, v44  }
0x128: {  	[tilespmem:s13+$0x50] =	vst v0;
	v52 =	vld.idx.msk [tilespmem:v8+s7+$0x0], $0xffff;
	v9 =	vtrunc.f32 v9;
	v5 =	vmin.f32 v5, $2.550000000e+02;
	v46 =	vmax.f32 v16, $0.0e+00  }
0x129: {  	[tilespmem:s13+$0xFFFFFFD0] =	vst v1;
	v11 =	vld.idx.msk [tilespmem:v11+s7+$0x0], $0xffff;
	v5 =	vadd.f32 $5.000000000e-01, v5;
	v49 =	vmax.f32 v14, $0.0e+00;
	v48 =	vmin.f32 v46, $2.550000000e+02  }
0x12a: {  	[tilespmem:s14+$0x50] =	vst v2;
	v47 =	vld.idx.msk [tilespmem:v7+s7+$0x0], $0xffff;
	v53 =	vcvt.f32.s32 v51;
	v10 =	vmin.f32 v49, $2.550000000e+02;
	v7 =	vadd.f32 $5.000000000e-01, v48  }
0x12b: {  	[tilespmem:s15+$0x50] =	vst v13;
	v9 =	vcvt.f32.s32 v9;
	v5 =	vtrunc.f32 v5;
	v10 =	vadd.f32 $5.000000000e-01, v10  }
0x12c: {  	[tilespmem:s14+$0xFFFFFFD0] =	vst v3;
	v50 =	vld.idx.msk [tilespmem:v12+s7+$0x0], $0xffff;
	v5 =	vcvt.f32.s32 v5;
	v7 =	vtrunc.f32 v7  }
0x12d: {  	[tilespmem:s15+$0xFFFFFFD0] =	vst v45;
	v54 =	vld.idx.msk [tilespmem:v41+s7+$0x0], $0xffff;
	v56 =	vtrunc.f32 v10;
	v55 =	vcvt.f32.s32 v7  }
0x12e: {  	[tilespmem:s17+$0x50] =	vst v52;
	v57 =	vld.idx.msk [tilespmem:v15+s7+$0x0], $0xffff;
	v7 =	vcvt.f32.s32 v56  }
0x12f: {  	[tilespmem:s17+$0xFFFFFFD0] =	vst v11;
	v58 =	vld.idx.msk [tilespmem:v6+s7+$0x0], $0xffff  }
0x130: {  	[tilespmem:s16+$0x50] =	vst v47;
	v60 =	vld.idx.msk [tilespmem:v53+s7+$0x0], $0xffff  }
0x131: {  	[tilespmem:s16+$0xFFFFFFD0] =	vst v50;
	v59 =	vld.idx.msk [tilespmem:v9+s7+$0x0], $0xffff  }
0x132: {  	[tilespmem:s20+$0x50] =	vst v54;
	v61 =	vld.idx.msk [tilespmem:v5+s7+$0x0], $0xffff  }
0x133: {  	[tilespmem:s20+$0xFFFFFFD0] =	vst v57;
	v62 =	vld.idx.msk [tilespmem:v55+s7+$0x0], $0xffff  }
0x134: {  	[tilespmem:s23+$0x50] =	vst v58;
	v63 =	vld.idx.msk [tilespmem:v7+s7+$0x0], $0xffff  }
0x135: {  	[tilespmem:s28+$0x50] =	vst v60  }
0x136: {  	[tilespmem:s23+$0xFFFFFFD0] =	vst v59  }
0x137: {  	s12 =	sadd.s32 $0x1, s12;
	[tilespmem:s28+$0xFFFFFFD0] =	vst v61  }
0x138: {  	p0 =	sne.s32 s12, s6;
	[tilespmem:s30+$0x50] =	vst v62  }
.Ltmp1:
0x139: {  	[tilespmem:s30+$0xFFFFFFD0] =	vst v63;
	(pc) =	sbr.rel @p0 .LBB2_1-.Ltmp1, $4  }
0x13a: {  	[hbm4b:s5+s3] =	stream.linear.scatter [tilespmem:s10], [sflag:$0x3], $0x4800, $0x38;
	[tilespmem:$0x9100] =	vst v63  }
0x13b: {  	_ =	swait.ge [sflag:s11], $0x4800  }
0x13c: {  	[sflag:s11] =	ssyncset.done $0x0  }
0x13d: {  	[sflag:s11] =	ssyncadd.s32 $0xFFFFB800  }
0x13e: {  	_ =	sfence.sel $0x180000  }
0x13f: {  	[bflag:$0x0] =	sbarrier.arrive $0xFFFF  }
0x140: {  	_ =	strace $0x90000047  }
0x141: {  	s0 =	stileid.u32;
	[bflag:$0x2] =	sbarrier.arrive $0xFFFF  }
0x142: {  	p0 =	sne.s32 s0, $0x0;
	s0 =	rddreg [dreg:$0x2]  }
0x143: {  	s0 =	sadd.s32 @!p0 $0x100000, s0  }
0x144: {  	[sflag:s0] =	ssyncadd.tile.s32 @!p0 $0x1;
	_ =	shalt  }
.Lfunc_end2:
_tile_overlayer_lowered:
.L_overlay_start_2:
0x145: {  	(tag) =	ssettag $0x2  }
0x146: {  	s0 =	rddreg [dreg:$0x0];
	s2 =	stileid.u32  }
0x147: {  	s1 =	rddreg [dreg:$0x1];
	p0 =	sne.s32 s2, $0x0  }
0x148: {  	s3 =	rddreg [dreg:$0x2];
	[bflag:$0x3] =	sbarrier.arrive $0xFFFF;
	s2 =	simm.s32 @!p0 $0x1C03  }
0x149: {  	[timem:s3], [sflag:s2] =	dma.local @!p0 [hbm:s0], s1  }
0x14a: {  	s0 =	simm.s32 @!p0 $0x3  }
0x14b: {  	_ =	swait.ge @!p0 [sflag:s0], s1  }
0x14c: {  	s1 =	ssub.s32 @!p0 $0x0, s1;
	[sflag:s0] =	ssyncset.done @!p0 $0x0  }
0x14d: {  	[sflag:s0] =	ssyncadd.s32 @!p0 s1  }
0x14e: {  	[bflag:$0x3] =	sbarrier.arrive $0xFFFF  }
0x14f: {  	_ =	shalt  }

</sc_bundles>
